<compile_context>
chip_gen: v7x
topology: tpu7x:2x2x1
jax: 0.10.2.dev20260603
libtpu: 0.0.44.dev20260713+nightly
codegen_flags: <defaults>
</compile_context>

<pallas_src>
import functools

import jax
import jax.numpy as jnp
from jax import lax
from jax.experimental import pallas as pl
from jax.experimental.pallas import tpu as pltpu
from jax.experimental.pallas import tpu_sc as plsc

N_ROWS = 4096
N_CLASSES = 401
MAX_ATTRS = 16
BLOCK_ROWS = 512
N_BLOCKS = N_ROWS // BLOCK_ROWS

SC_CORES = 2
SC_SUBCORES = 16
NW = SC_CORES * SC_SUBCORES
RPW = N_ROWS // NW
GROUPS = RPW // 16


def _slab_copy(logits, slab, sem, rbase, g):
    return pltpu.make_async_copy(
        logits.at[pl.ds(rbase + g * 16, 16), :],
        slab.at[pl.ds(g * 16, 16), :], sem.at[g])


def _sc_body(logits, attrs_flat, aux, slab, attr_buf, out_buf, sem):
    wid = lax.axis_index("s") * SC_CORES + lax.axis_index("c")
    rbase = pl.multiple_of(wid * RPW, RPW)
    iota = lax.iota(jnp.int32, 16)

    for g in range(GROUPS):
        _slab_copy(logits, slab, sem, rbase, g).start()
    pltpu.sync_copy(attrs_flat.at[pl.ds(rbase * MAX_ATTRS, RPW * MAX_ATTRS)],
                    attr_buf)

    def col(g, j):
        return plsc.load_gather(
            attr_buf, [(g * 16 + iota) * MAX_ATTRS + j])

    ones = jnp.ones((16,), jnp.float32)
    zeros = jnp.zeros((16,), jnp.float32)

    def group_body(g, _):
        _slab_copy(logits, slab, sem, rbase, g).wait()
        rows = g * 16 + iota
        ids_list = [col(g, j) for j in range(MAX_ATTRS)]
        gacc = zeros
        dacc = zeros
        cacc = zeros
        for j in range(MAX_ATTRS):
            ids_j = ids_list[j]
            v_j = plsc.load_gather(slab, [rows, ids_j])
            nz = ids_j != 0
            first = nz
            for k in range(j):
                first = first & (ids_j != ids_list[k])
            fj = jnp.where(first, ones, zeros)
            gacc = gacc + fj * v_j
            dacc = dacc + fj
            cacc = cacc + jnp.where(nz, ones, zeros)
        rcp = 1.0 / jnp.maximum(cacc, ones)
        out_buf[pl.ds(g * 16, 16)] = dacc * rcp
        out_buf[pl.ds(RPW + g * 16, 16)] = gacc * rcp
        return _

    lax.fori_loop(0, GROUPS, group_body, None)

    b = wid // (BLOCK_ROWS // RPW)
    lo = pl.multiple_of((wid % (BLOCK_ROWS // RPW)) * RPW, RPW)
    pltpu.sync_copy(out_buf.at[pl.ds(0, RPW)], aux.at[b, 0, pl.ds(lo, RPW)])
    pltpu.sync_copy(out_buf.at[pl.ds(RPW, RPW)],
                    aux.at[b, 0, pl.ds(BLOCK_ROWS + lo, RPW)])


@functools.partial(
    pl.kernel,
    out_type=jax.ShapeDtypeStruct((N_BLOCKS, 1, BLOCK_ROWS * 2), jnp.float32),
    mesh=plsc.VectorSubcoreMesh(core_axis_name="c", subcore_axis_name="s"),
    scratch_types=[
        pltpu.VMEM((RPW, N_CLASSES), jnp.float32),
        pltpu.VMEM((RPW * MAX_ATTRS,), jnp.int32),
        pltpu.VMEM((RPW * 2,), jnp.float32),
        pltpu.SemaphoreType.DMA((GROUPS,)),
    ],
    compiler_params=pltpu.CompilerParams(needs_layout_passes=False),
)
def _sc_gather(logits, attrs_flat, aux, slab, attr_buf, out_buf, sem):
    _sc_body(logits, attrs_flat, aux, slab, attr_buf, out_buf, sem)


def _tc_body(logits_ref, aux_ref, out_ref):
    @pl.when(pl.program_id(0) == 0)
    def _():
        out_ref[...] = jnp.zeros((1, 1), jnp.float32)

    x = logits_ref[...]
    mx = jnp.max(x, axis=1, keepdims=True)
    se = jnp.sum(jnp.exp(x - mx), axis=1, keepdims=True)
    lse = mx + jnp.log(se)
    dn = aux_ref[0, 0:1, 0:BLOCK_ROWS]
    gn = aux_ref[0, 0:1, BLOCK_ROWS:2 * BLOCK_ROWS]
    p1 = jax.lax.dot_general(dn, lse, (((1,), (0,)), ((), ())),
                             preferred_element_type=jnp.float32)
    p2 = jnp.sum(gn, keepdims=True).reshape(1, 1)
    out_ref[...] += (p1 - p2) * (1.0 / N_ROWS)


def kernel(attribute_logits, attributes):
    aux = _sc_gather(attribute_logits, attributes.reshape(-1))
    out = pl.pallas_call(
        _tc_body,
        grid=(N_BLOCKS,),
        in_specs=[
            pl.BlockSpec((BLOCK_ROWS, N_CLASSES), lambda i: (i, 0)),
            pl.BlockSpec((1, 1, 2 * BLOCK_ROWS), lambda i: (i, 0, 0)),
        ],
        out_specs=pl.BlockSpec((1, 1), lambda i: (0, 0)),
        out_shape=jax.ShapeDtypeStruct((1, 1), jnp.float32),
    )(attribute_logits, aux)
    return out[0, 0]

# --- scband reference (transcript-rebuilt; emitter-appended) ---
"""Pipeline reference for scband-attribute-rcnnloss-computation-76278619177561 (READ-ONLY COPY).

The authoritative reference and input builder live on the scoring server;
editing this copy changes nothing except your own understanding.
"""

import jax, jax.numpy as jnp
import numpy as np

LOSS_WEIGHT = 1.0
N_PROPOSALS = 4096
MAX_ATTRS = 16
NUM_CLASSES = 401


def setup_inputs(seed: int = 0) -> dict:
    key = jax.random.key(seed)
    k1, k2 = jax.random.split(key)
    attribute_logits = jax.random.normal(k1, (N_PROPOSALS, NUM_CLASSES), dtype=jnp.float32)
    # concatenated gt attribute ids across all proposals/images; 0 == no attribute slot
    attributes = jax.random.randint(k2, (N_PROPOSALS, MAX_ATTRS), 0, NUM_CLASSES, dtype=jnp.int32)
    return {"attribute_logits": attribute_logits, "attributes": attributes}


def _build_sim_attributes(attributes, num_classes):
    # Vectorized form of the per-row python loop:
    # for each row i, sim[i, attributes[i, j]] = 1/len(nonzero(attributes[i])) for every
    # nonzero slot j. Nonzero slots hold class ids > 0, so scattering masked-out slots to
    # column 0 with value 0.0 is a no-op (column 0 is never a real target).
    mask = attributes != 0                                  # [N, K]
    counts = jnp.sum(mask, axis=1)                          # [N]
    safe_counts = jnp.maximum(counts, 1)
    vals = jnp.where(mask, 1.0 / safe_counts[:, None].astype(jnp.float32), 0.0)
    idx = jnp.where(mask, attributes, 0)
    n = attributes.shape[0]
    rows = jnp.broadcast_to(jnp.arange(n)[:, None], attributes.shape)
    sim = jnp.zeros((n, num_classes), dtype=jnp.float32)
    sim = sim.at[rows, idx].set(vals)
    return sim


def reference(attribute_logits, attributes):
    sim_attributes = _build_sim_attributes(attributes, attribute_logits.shape[1])
    # cross_entropy with loss_type='softmax'
    logp = jax.nn.log_softmax(attribute_logits, axis=1)
    attribute_loss = jnp.mean(jnp.sum(-sim_attributes * logp, axis=1))
    return LOSS_WEIGHT * attribute_loss

if __name__ == "__main__":
    import jax
    _d = setup_inputs()
    print(jax.jit(kernel)(*tuple(_d.values())))

</pallas_src>

<mosaic_0001>
#map = affine_map<(d0, d1) -> (0, 0)>
#map1 = affine_map<(d0, d1) -> (0)>
#map2 = affine_map<(d0, d1) -> (0, 0, 0)>
module attributes {stable_mosaic.version = 14 : i64} {
  func.func @_sc_gather(%arg0: i32, %arg1: i32, %arg2: memref<4096x401xf32, #tpu.memory_space<hbm>>, %arg3: memref<65536xi32, #tpu.memory_space<hbm>>, %arg4: memref<8x1x1024xf32, #tpu.memory_space<hbm>>, %arg5: memref<128x401xf32, #tpu.memory_space<vmem>>, %arg6: memref<2048xi32, #tpu.memory_space<vmem>>, %arg7: memref<256xf32, #tpu.memory_space<vmem>>, %arg8: memref<8x!tpu.dma_semaphore, #tpu.memory_space<semaphore_mem>>) attributes {dimension_semantics = [#tpu.dimension_semantics<core_parallel>, #tpu.dimension_semantics<subcore_parallel>], iteration_bounds = array<i64: 2, 16>, scalar_prefetch = 0 : i64, scratch_operands = 4 : i64, tpu.core_type = #tpu.core_type<sc_vector_subcore>, window_params = [{transform_indices = #map}, {transform_indices = #map1}, {transform_indices = #map2}]} {
    %mul3A = arith.constant 2 : i32
    %mul3A_0 = arith.muli %arg1, %mul3A : i32
    %add3A = arith.addi %mul3A_0, %arg0 : i32
    %mul3A_1 = arith.constant 128 : i32
    %mul3A_2 = arith.muli %add3A, %mul3A_1 : i32
    %multiple_of3A = tpu.assume_multiple %mul3A_2, 128 : i32
    %iota3A = tpu.iota {dimensions = array<i32: 0>} : vector<16xi32>
    %add3A_3 = arith.constant 0 : i32
    %add3A_4 = arith.addi %multiple_of3A, %add3A_3 : i32
    %dma_start3A = arith.constant 0 : i32
    %dma_start3A_5 = arith.constant 0 : i32
    %dma_start3A_6 = arith.constant 0 : i32
    %dma_start3A_7 = tpu.memref_slice %arg5[%dma_start3A_5, %dma_start3A_6] : memref<128x401xf32, #tpu.memory_space<vmem>> -> memref<16x401xf32, #tpu.memory_space<vmem>>
    %dma_start3A_8 = arith.constant 0 : i32
    %dma_start3A_9 = tpu.memref_slice %arg2[%add3A_4, %dma_start3A_8] : memref<4096x401xf32, #tpu.memory_space<hbm>> -> memref<16x401xf32, #tpu.memory_space<hbm>>
    %dma_start3A_10 = tpu.memref_slice %arg8[%dma_start3A] : memref<8x!tpu.dma_semaphore, #tpu.memory_space<semaphore_mem>> -> memref<1x!tpu.dma_semaphore, #tpu.memory_space<semaphore_mem>>
    %dma_start3A_11 = tpu.memref_squeeze %dma_start3A_10 : memref<1x!tpu.dma_semaphore, #tpu.memory_space<semaphore_mem>> -> memref<!tpu.dma_semaphore, #tpu.memory_space<semaphore_mem>>
    %dma_start3A_12 = arith.constant 0 : i32
    %dma_start3A_13 = arith.constant 0 : i32
    %dma_start3A_14 = tpu.memref_slice %arg5[%dma_start3A_12, %dma_start3A_13] : memref<128x401xf32, #tpu.memory_space<vmem>> -> memref<16x401xf32, #tpu.memory_space<vmem>>
    %dma_start3A_15 = arith.constant 0 : i32
    %dma_start3A_16 = tpu.memref_slice %arg2[%add3A_4, %dma_start3A_15] : memref<4096x401xf32, #tpu.memory_space<hbm>> -> memref<16x401xf32, #tpu.memory_space<hbm>>
    tpu.enqueue_dma source(%dma_start3A_16 : memref<16x401xf32, #tpu.memory_space<hbm>>) target(%dma_start3A_14 : memref<16x401xf32, #tpu.memory_space<vmem>>) target_semaphore(%dma_start3A_11 : memref<!tpu.dma_semaphore, #tpu.memory_space<semaphore_mem>>)
    %add3A_17 = arith.constant 16 : i32
    %add3A_18 = arith.addi %multiple_of3A, %add3A_17 : i32
    %dma_start3A_19 = arith.constant 1 : i32
    %dma_start3A_20 = arith.constant 16 : i32
    %dma_start3A_21 = arith.constant 0 : i32
    %dma_start3A_22 = tpu.memref_slice %arg5[%dma_start3A_20, %dma_start3A_21] : memref<128x401xf32, #tpu.memory_space<vmem>> -> memref<16x401xf32, #tpu.memory_space<vmem>>
    %dma_start3A_23 = arith.constant 0 : i32
    %dma_start3A_24 = tpu.memref_slice %arg2[%add3A_18, %dma_start3A_23] : memref<4096x401xf32, #tpu.memory_space<hbm>> -> memref<16x401xf32, #tpu.memory_space<hbm>>
    %dma_start3A_25 = tpu.memref_slice %arg8[%dma_start3A_19] : memref<8x!tpu.dma_semaphore, #tpu.memory_space<semaphore_mem>> -> memref<1x!tpu.dma_semaphore, #tpu.memory_space<semaphore_mem>>
    %dma_start3A_26 = tpu.memref_squeeze %dma_start3A_25 : memref<1x!tpu.dma_semaphore, #tpu.memory_space<semaphore_mem>> -> memref<!tpu.dma_semaphore, #tpu.memory_space<semaphore_mem>>
    %dma_start3A_27 = arith.constant 16 : i32
    %dma_start3A_28 = arith.constant 0 : i32
    %dma_start3A_29 = tpu.memref_slice %arg5[%dma_start3A_27, %dma_start3A_28] : memref<128x401xf32, #tpu.memory_space<vmem>> -> memref<16x401xf32, #tpu.memory_space<vmem>>
    %dma_start3A_30 = arith.constant 0 : i32
    %dma_start3A_31 = tpu.memref_slice %arg2[%add3A_18, %dma_start3A_30] : memref<4096x401xf32, #tpu.memory_space<hbm>> -> memref<16x401xf32, #tpu.memory_space<hbm>>
    tpu.enqueue_dma source(%dma_start3A_31 : memref<16x401xf32, #tpu.memory_space<hbm>>) target(%dma_start3A_29 : memref<16x401xf32, #tpu.memory_space<vmem>>) target_semaphore(%dma_start3A_26 : memref<!tpu.dma_semaphore, #tpu.memory_space<semaphore_mem>>)
    %add3A_32 = arith.constant 32 : i32
    %add3A_33 = arith.addi %multiple_of3A, %add3A_32 : i32
    %dma_start3A_34 = arith.constant 2 : i32
    %dma_start3A_35 = arith.constant 32 : i32
    %dma_start3A_36 = arith.constant 0 : i32
    %dma_start3A_37 = tpu.memref_slice %arg5[%dma_start3A_35, %dma_start3A_36] : memref<128x401xf32, #tpu.memory_space<vmem>> -> memref<16x401xf32, #tpu.memory_space<vmem>>
    %dma_start3A_38 = arith.constant 0 : i32
    %dma_start3A_39 = tpu.memref_slice %arg2[%add3A_33, %dma_start3A_38] : memref<4096x401xf32, #tpu.memory_space<hbm>> -> memref<16x401xf32, #tpu.memory_space<hbm>>
    %dma_start3A_40 = tpu.memref_slice %arg8[%dma_start3A_34] : memref<8x!tpu.dma_semaphore, #tpu.memory_space<semaphore_mem>> -> memref<1x!tpu.dma_semaphore, #tpu.memory_space<semaphore_mem>>
    %dma_start3A_41 = tpu.memref_squeeze %dma_start3A_40 : memref<1x!tpu.dma_semaphore, #tpu.memory_space<semaphore_mem>> -> memref<!tpu.dma_semaphore, #tpu.memory_space<semaphore_mem>>
    %dma_start3A_42 = arith.constant 32 : i32
    %dma_start3A_43 = arith.constant 0 : i32
    %dma_start3A_44 = tpu.memref_slice %arg5[%dma_start3A_42, %dma_start3A_43] : memref<128x401xf32, #tpu.memory_space<vmem>> -> memref<16x401xf32, #tpu.memory_space<vmem>>
    %dma_start3A_45 = arith.constant 0 : i32
    %dma_start3A_46 = tpu.memref_slice %arg2[%add3A_33, %dma_start3A_45] : memref<4096x401xf32, #tpu.memory_space<hbm>> -> memref<16x401xf32, #tpu.memory_space<hbm>>
    tpu.enqueue_dma source(%dma_start3A_46 : memref<16x401xf32, #tpu.memory_space<hbm>>) target(%dma_start3A_44 : memref<16x401xf32, #tpu.memory_space<vmem>>) target_semaphore(%dma_start3A_41 : memref<!tpu.dma_semaphore, #tpu.memory_space<semaphore_mem>>)
    %add3A_47 = arith.constant 48 : i32
    %add3A_48 = arith.addi %multiple_of3A, %add3A_47 : i32
    %dma_start3A_49 = arith.constant 3 : i32
    %dma_start3A_50 = arith.constant 48 : i32
    %dma_start3A_51 = arith.constant 0 : i32
    %dma_start3A_52 = tpu.memref_slice %arg5[%dma_start3A_50, %dma_start3A_51] : memref<128x401xf32, #tpu.memory_space<vmem>> -> memref<16x401xf32, #tpu.memory_space<vmem>>
    %dma_start3A_53 = arith.constant 0 : i32
    %dma_start3A_54 = tpu.memref_slice %arg2[%add3A_48, %dma_start3A_53] : memref<4096x401xf32, #tpu.memory_space<hbm>> -> memref<16x401xf32, #tpu.memory_space<hbm>>
    %dma_start3A_55 = tpu.memref_slice %arg8[%dma_start3A_49] : memref<8x!tpu.dma_semaphore, #tpu.memory_space<semaphore_mem>> -> memref<1x!tpu.dma_semaphore, #tpu.memory_space<semaphore_mem>>
    %dma_start3A_56 = tpu.memref_squeeze %dma_start3A_55 : memref<1x!tpu.dma_semaphore, #tpu.memory_space<semaphore_mem>> -> memref<!tpu.dma_semaphore, #tpu.memory_space<semaphore_mem>>
    %dma_start3A_57 = arith.constant 48 : i32
    %dma_start3A_58 = arith.constant 0 : i32
    %dma_start3A_59 = tpu.memref_slice %arg5[%dma_start3A_57, %dma_start3A_58] : memref<128x401xf32, #tpu.memory_space<vmem>> -> memref<16x401xf32, #tpu.memory_space<vmem>>
    %dma_start3A_60 = arith.constant 0 : i32
    %dma_start3A_61 = tpu.memref_slice %arg2[%add3A_48, %dma_start3A_60] : memref<4096x401xf32, #tpu.memory_space<hbm>> -> memref<16x401xf32, #tpu.memory_space<hbm>>
    tpu.enqueue_dma source(%dma_start3A_61 : memref<16x401xf32, #tpu.memory_space<hbm>>) target(%dma_start3A_59 : memref<16x401xf32, #tpu.memory_space<vmem>>) target_semaphore(%dma_start3A_56 : memref<!tpu.dma_semaphore, #tpu.memory_space<semaphore_mem>>)
    %add3A_62 = arith.constant 64 : i32
    %add3A_63 = arith.addi %multiple_of3A, %add3A_62 : i32
    %dma_start3A_64 = arith.constant 4 : i32
    %dma_start3A_65 = arith.constant 64 : i32
    %dma_start3A_66 = arith.constant 0 : i32
    %dma_start3A_67 = tpu.memref_slice %arg5[%dma_start3A_65, %dma_start3A_66] : memref<128x401xf32, #tpu.memory_space<vmem>> -> memref<16x401xf32, #tpu.memory_space<vmem>>
    %dma_start3A_68 = arith.constant 0 : i32
    %dma_start3A_69 = tpu.memref_slice %arg2[%add3A_63, %dma_start3A_68] : memref<4096x401xf32, #tpu.memory_space<hbm>> -> memref<16x401xf32, #tpu.memory_space<hbm>>
    %dma_start3A_70 = tpu.memref_slice %arg8[%dma_start3A_64] : memref<8x!tpu.dma_semaphore, #tpu.memory_space<semaphore_mem>> -> memref<1x!tpu.dma_semaphore, #tpu.memory_space<semaphore_mem>>
    %dma_start3A_71 = tpu.memref_squeeze %dma_start3A_70 : memref<1x!tpu.dma_semaphore, #tpu.memory_space<semaphore_mem>> -> memref<!tpu.dma_semaphore, #tpu.memory_space<semaphore_mem>>
    %dma_start3A_72 = arith.constant 64 : i32
    %dma_start3A_73 = arith.constant 0 : i32
    %dma_start3A_74 = tpu.memref_slice %arg5[%dma_start3A_72, %dma_start3A_73] : memref<128x401xf32, #tpu.memory_space<vmem>> -> memref<16x401xf32, #tpu.memory_space<vmem>>
    %dma_start3A_75 = arith.constant 0 : i32
    %dma_start3A_76 = tpu.memref_slice %arg2[%add3A_63, %dma_start3A_75] : memref<4096x401xf32, #tpu.memory_space<hbm>> -> memref<16x401xf32, #tpu.memory_space<hbm>>
    tpu.enqueue_dma source(%dma_start3A_76 : memref<16x401xf32, #tpu.memory_space<hbm>>) target(%dma_start3A_74 : memref<16x401xf32, #tpu.memory_space<vmem>>) target_semaphore(%dma_start3A_71 : memref<!tpu.dma_semaphore, #tpu.memory_space<semaphore_mem>>)
    %add3A_77 = arith.constant 80 : i32
    %add3A_78 = arith.addi %multiple_of3A, %add3A_77 : i32
    %dma_start3A_79 = arith.constant 5 : i32
    %dma_start3A_80 = arith.constant 80 : i32
    %dma_start3A_81 = arith.constant 0 : i32
    %dma_start3A_82 = tpu.memref_slice %arg5[%dma_start3A_80, %dma_start3A_81] : memref<128x401xf32, #tpu.memory_space<vmem>> -> memref<16x401xf32, #tpu.memory_space<vmem>>
    %dma_start3A_83 = arith.constant 0 : i32
    %dma_start3A_84 = tpu.memref_slice %arg2[%add3A_78, %dma_start3A_83] : memref<4096x401xf32, #tpu.memory_space<hbm>> -> memref<16x401xf32, #tpu.memory_space<hbm>>
    %dma_start3A_85 = tpu.memref_slice %arg8[%dma_start3A_79] : memref<8x!tpu.dma_semaphore, #tpu.memory_space<semaphore_mem>> -> memref<1x!tpu.dma_semaphore, #tpu.memory_space<semaphore_mem>>
    %dma_start3A_86 = tpu.memref_squeeze %dma_start3A_85 : memref<1x!tpu.dma_semaphore, #tpu.memory_space<semaphore_mem>> -> memref<!tpu.dma_semaphore, #tpu.memory_space<semaphore_mem>>
    %dma_start3A_87 = arith.constant 80 : i32
    %dma_start3A_88 = arith.constant 0 : i32
    %dma_start3A_89 = tpu.memref_slice %arg5[%dma_start3A_87, %dma_start3A_88] : memref<128x401xf32, #tpu.memory_space<vmem>> -> memref<16x401xf32, #tpu.memory_space<vmem>>
    %dma_start3A_90 = arith.constant 0 : i32
    %dma_start3A_91 = tpu.memref_slice %arg2[%add3A_78, %dma_start3A_90] : memref<4096x401xf32, #tpu.memory_space<hbm>> -> memref<16x401xf32, #tpu.memory_space<hbm>>
    tpu.enqueue_dma source(%dma_start3A_91 : memref<16x401xf32, #tpu.memory_space<hbm>>) target(%dma_start3A_89 : memref<16x401xf32, #tpu.memory_space<vmem>>) target_semaphore(%dma_start3A_86 : memref<!tpu.dma_semaphore, #tpu.memory_space<semaphore_mem>>)
    %add3A_92 = arith.constant 96 : i32
    %add3A_93 = arith.addi %multiple_of3A, %add3A_92 : i32
    %dma_start3A_94 = arith.constant 6 : i32
    %dma_start3A_95 = arith.constant 96 : i32
    %dma_start3A_96 = arith.constant 0 : i32
    %dma_start3A_97 = tpu.memref_slice %arg5[%dma_start3A_95, %dma_start3A_96] : memref<128x401xf32, #tpu.memory_space<vmem>> -> memref<16x401xf32, #tpu.memory_space<vmem>>
    %dma_start3A_98 = arith.constant 0 : i32
    %dma_start3A_99 = tpu.memref_slice %arg2[%add3A_93, %dma_start3A_98] : memref<4096x401xf32, #tpu.memory_space<hbm>> -> memref<16x401xf32, #tpu.memory_space<hbm>>
    %dma_start3A_100 = tpu.memref_slice %arg8[%dma_start3A_94] : memref<8x!tpu.dma_semaphore, #tpu.memory_space<semaphore_mem>> -> memref<1x!tpu.dma_semaphore, #tpu.memory_space<semaphore_mem>>
    %dma_start3A_101 = tpu.memref_squeeze %dma_start3A_100 : memref<1x!tpu.dma_semaphore, #tpu.memory_space<semaphore_mem>> -> memref<!tpu.dma_semaphore, #tpu.memory_space<semaphore_mem>>
    %dma_start3A_102 = arith.constant 96 : i32
    %dma_start3A_103 = arith.constant 0 : i32
    %dma_start3A_104 = tpu.memref_slice %arg5[%dma_start3A_102, %dma_start3A_103] : memref<128x401xf32, #tpu.memory_space<vmem>> -> memref<16x401xf32, #tpu.memory_space<vmem>>
    %dma_start3A_105 = arith.constant 0 : i32
    %dma_start3A_106 = tpu.memref_slice %arg2[%add3A_93, %dma_start3A_105] : memref<4096x401xf32, #tpu.memory_space<hbm>> -> memref<16x401xf32, #tpu.memory_space<hbm>>
    tpu.enqueue_dma source(%dma_start3A_106 : memref<16x401xf32, #tpu.memory_space<hbm>>) target(%dma_start3A_104 : memref<16x401xf32, #tpu.memory_space<vmem>>) target_semaphore(%dma_start3A_101 : memref<!tpu.dma_semaphore, #tpu.memory_space<semaphore_mem>>)
    %add3A_107 = arith.constant 112 : i32
    %add3A_108 = arith.addi %multiple_of3A, %add3A_107 : i32
    %dma_start3A_109 = arith.constant 7 : i32
    %dma_start3A_110 = arith.constant 112 : i32
    %dma_start3A_111 = arith.constant 0 : i32
    %dma_start3A_112 = tpu.memref_slice %arg5[%dma_start3A_110, %dma_start3A_111] : memref<128x401xf32, #tpu.memory_space<vmem>> -> memref<16x401xf32, #tpu.memory_space<vmem>>
    %dma_start3A_113 = arith.constant 0 : i32
    %dma_start3A_114 = tpu.memref_slice %arg2[%add3A_108, %dma_start3A_113] : memref<4096x401xf32, #tpu.memory_space<hbm>> -> memref<16x401xf32, #tpu.memory_space<hbm>>
    %dma_start3A_115 = tpu.memref_slice %arg8[%dma_start3A_109] : memref<8x!tpu.dma_semaphore, #tpu.memory_space<semaphore_mem>> -> memref<1x!tpu.dma_semaphore, #tpu.memory_space<semaphore_mem>>
    %dma_start3A_116 = tpu.memref_squeeze %dma_start3A_115 : memref<1x!tpu.dma_semaphore, #tpu.memory_space<semaphore_mem>> -> memref<!tpu.dma_semaphore, #tpu.memory_space<semaphore_mem>>
    %dma_start3A_117 = arith.constant 112 : i32
    %dma_start3A_118 = arith.constant 0 : i32
    %dma_start3A_119 = tpu.memref_slice %arg5[%dma_start3A_117, %dma_start3A_118] : memref<128x401xf32, #tpu.memory_space<vmem>> -> memref<16x401xf32, #tpu.memory_space<vmem>>
    %dma_start3A_120 = arith.constant 0 : i32
    %dma_start3A_121 = tpu.memref_slice %arg2[%add3A_108, %dma_start3A_120] : memref<4096x401xf32, #tpu.memory_space<hbm>> -> memref<16x401xf32, #tpu.memory_space<hbm>>
    tpu.enqueue_dma source(%dma_start3A_121 : memref<16x401xf32, #tpu.memory_space<hbm>>) target(%dma_start3A_119 : memref<16x401xf32, #tpu.memory_space<vmem>>) target_semaphore(%dma_start3A_116 : memref<!tpu.dma_semaphore, #tpu.memory_space<semaphore_mem>>)
    %mul3A_122 = arith.constant 16 : i32
    %mul3A_123 = arith.muli %multiple_of3A, %mul3A_122 : i32
    "tpu.region"() ({
      %run_scoped3A_167 = tpu.sem_alloc : memref<!tpu.dma_semaphore, #tpu.memory_space<semaphore_mem>>
      %dma_start3A_168 = tpu.memref_slice %arg3[%mul3A_123] : memref<65536xi32, #tpu.memory_space<hbm>> -> memref<2048xi32, #tpu.memory_space<hbm>>
      %dma_start3A_169 = tpu.memref_slice %arg3[%mul3A_123] : memref<65536xi32, #tpu.memory_space<hbm>> -> memref<2048xi32, #tpu.memory_space<hbm>>
      tpu.enqueue_dma source(%dma_start3A_169 : memref<2048xi32, #tpu.memory_space<hbm>>) target(%arg6 : memref<2048xi32, #tpu.memory_space<vmem>>) target_semaphore(%run_scoped3A_167 : memref<!tpu.dma_semaphore, #tpu.memory_space<semaphore_mem>>)
      %dma_wait3A = tpu.memref_slice %arg3[%mul3A_123] : memref<65536xi32, #tpu.memory_space<hbm>> -> memref<2048xi32, #tpu.memory_space<hbm>>
      %dma_wait3A_170 = tpu.memref_slice %arg3[%mul3A_123] : memref<65536xi32, #tpu.memory_space<hbm>> -> memref<2048xi32, #tpu.memory_space<hbm>>
      tpu.wait_dma2 semaphore(%run_scoped3A_167 : memref<!tpu.dma_semaphore, #tpu.memory_space<semaphore_mem>>) src(%dma_wait3A_170 : memref<2048xi32, #tpu.memory_space<hbm>>) dst(%arg6 : memref<2048xi32, #tpu.memory_space<vmem>>)
      tpu.yield
    }) : () -> ()
    %broadcast_in_dim3A = arith.constant 1.000000e+00 : f32
    %broadcast_in_dim3A_124 = vector.broadcast %broadcast_in_dim3A : f32 to vector<16xf32>
    %broadcast_in_dim3A_125 = arith.constant 0.000000e+00 : f32
    %broadcast_in_dim3A_126 = vector.broadcast %broadcast_in_dim3A_125 : f32 to vector<16xf32>
    %scan3A = arith.constant 0 : i32
    %scan3A_127 = arith.constant 8 : i32
    %scan3A_128 = arith.addi %scan3A, %scan3A_127 : i32
    %scan3A_129 = arith.constant 1 : i32
    scf.for %scan3A_167 = %scan3A to %scan3A_128 step %scan3A_129  : i32 {
      %mul3A_168 = arith.constant 16 : i32
      %mul3A_169 = arith.muli %scan3A_167, %mul3A_168 : i32
      %add3A_170 = arith.addi %multiple_of3A, %mul3A_169 : i32
      %mul3A_171 = arith.constant 16 : i32
      %mul3A_172 = arith.muli %scan3A_167, %mul3A_171 : i32
      %dma_wait3A = arith.constant 0 : i32
      %dma_wait3A_173 = tpu.memref_slice %arg5[%mul3A_172, %dma_wait3A] : memref<128x401xf32, #tpu.memory_space<vmem>> -> memref<16x401xf32, #tpu.memory_space<vmem>>
      %dma_wait3A_174 = arith.constant 0 : i32
      %dma_wait3A_175 = tpu.memref_slice %arg2[%add3A_170, %dma_wait3A_174] : memref<4096x401xf32, #tpu.memory_space<hbm>> -> memref<16x401xf32, #tpu.memory_space<hbm>>
      %dma_wait3A_176 = tpu.memref_slice %arg8[%scan3A_167] : memref<8x!tpu.dma_semaphore, #tpu.memory_space<semaphore_mem>> -> memref<1x!tpu.dma_semaphore, #tpu.memory_space<semaphore_mem>>
      %dma_wait3A_177 = tpu.memref_squeeze %dma_wait3A_176 : memref<1x!tpu.dma_semaphore, #tpu.memory_space<semaphore_mem>> -> memref<!tpu.dma_semaphore, #tpu.memory_space<semaphore_mem>>
      %dma_wait3A_178 = arith.constant 0 : i32
      %dma_wait3A_179 = tpu.memref_slice %arg5[%mul3A_172, %dma_wait3A_178] : memref<128x401xf32, #tpu.memory_space<vmem>> -> memref<16x401xf32, #tpu.memory_space<vmem>>
      %dma_wait3A_180 = arith.constant 0 : i32
      %dma_wait3A_181 = tpu.memref_slice %arg2[%add3A_170, %dma_wait3A_180] : memref<4096x401xf32, #tpu.memory_space<hbm>> -> memref<16x401xf32, #tpu.memory_space<hbm>>
      tpu.wait_dma2 semaphore(%dma_wait3A_177 : memref<!tpu.dma_semaphore, #tpu.memory_space<semaphore_mem>>) src(%dma_wait3A_181 : memref<16x401xf32, #tpu.memory_space<hbm>>) dst(%dma_wait3A_179 : memref<16x401xf32, #tpu.memory_space<vmem>>)
      %mul3A_182 = arith.constant 16 : i32
      %mul3A_183 = arith.muli %scan3A_167, %mul3A_182 : i32
      %add3A_184 = vector.broadcast %mul3A_183 : i32 to vector<16xi32>
      %add3A_185 = arith.addi %add3A_184, %iota3A : vector<16xi32>
      %mul3A_186 = arith.constant 16 : i32
      %mul3A_187 = arith.muli %scan3A_167, %mul3A_186 : i32
      %add3A_188 = vector.broadcast %mul3A_187 : i32 to vector<16xi32>
      %add3A_189 = arith.addi %add3A_188, %iota3A : vector<16xi32>
      %mul3A_190 = arith.constant 16 : i32
      %mul3A_191 = vector.broadcast %mul3A_190 : i32 to vector<16xi32>
      %mul3A_192 = arith.muli %add3A_189, %mul3A_191 : vector<16xi32>
      %add3A_193 = arith.constant 0 : i32
      %add3A_194 = vector.broadcast %add3A_193 : i32 to vector<16xi32>
      %add3A_195 = arith.addi %mul3A_192, %add3A_194 : vector<16xi32>
      %gather3A = tpu.vector_load_idx %arg6[%add3A_195] : memref<2048xi32, #tpu.memory_space<vmem>>[vector<16xi32>], vector<16xi32>,
      %mul3A_196 = arith.constant 16 : i32
      %mul3A_197 = arith.muli %scan3A_167, %mul3A_196 : i32
      %add3A_198 = vector.broadcast %mul3A_197 : i32 to vector<16xi32>
      %add3A_199 = arith.addi %add3A_198, %iota3A : vector<16xi32>
      %mul3A_200 = arith.constant 16 : i32
      %mul3A_201 = vector.broadcast %mul3A_200 : i32 to vector<16xi32>
      %mul3A_202 = arith.muli %add3A_199, %mul3A_201 : vector<16xi32>
      %add3A_203 = arith.constant 1 : i32
      %add3A_204 = vector.broadcast %add3A_203 : i32 to vector<16xi32>
      %add3A_205 = arith.addi %mul3A_202, %add3A_204 : vector<16xi32>
      %gather3A_206 = tpu.vector_load_idx %arg6[%add3A_205] : memref<2048xi32, #tpu.memory_space<vmem>>[vector<16xi32>], vector<16xi32>,
      %mul3A_207 = arith.constant 16 : i32
      %mul3A_208 = arith.muli %scan3A_167, %mul3A_207 : i32
      %add3A_209 = vector.broadcast %mul3A_208 : i32 to vector<16xi32>
      %add3A_210 = arith.addi %add3A_209, %iota3A : vector<16xi32>
      %mul3A_211 = arith.constant 16 : i32
      %mul3A_212 = vector.broadcast %mul3A_211 : i32 to vector<16xi32>
      %mul3A_213 = arith.muli %add3A_210, %mul3A_212 : vector<16xi32>
      %add3A_214 = arith.constant 2 : i32
      %add3A_215 = vector.broadcast %add3A_214 : i32 to vector<16xi32>
      %add3A_216 = arith.addi %mul3A_213, %add3A_215 : vector<16xi32>
      %gather3A_217 = tpu.vector_load_idx %arg6[%add3A_216] : memref<2048xi32, #tpu.memory_space<vmem>>[vector<16xi32>], vector<16xi32>,
      %mul3A_218 = arith.constant 16 : i32
      %mul3A_219 = arith.muli %scan3A_167, %mul3A_218 : i32
      %add3A_220 = vector.broadcast %mul3A_219 : i32 to vector<16xi32>
      %add3A_221 = arith.addi %add3A_220, %iota3A : vector<16xi32>
      %mul3A_222 = arith.constant 16 : i32
      %mul3A_223 = vector.broadcast %mul3A_222 : i32 to vector<16xi32>
      %mul3A_224 = arith.muli %add3A_221, %mul3A_223 : vector<16xi32>
      %add3A_225 = arith.constant 3 : i32
      %add3A_226 = vector.broadcast %add3A_225 : i32 to vector<16xi32>
      %add3A_227 = arith.addi %mul3A_224, %add3A_226 : vector<16xi32>
      %gather3A_228 = tpu.vector_load_idx %arg6[%add3A_227] : memref<2048xi32, #tpu.memory_space<vmem>>[vector<16xi32>], vector<16xi32>,
      %mul3A_229 = arith.constant 16 : i32
      %mul3A_230 = arith.muli %scan3A_167, %mul3A_229 : i32
      %add3A_231 = vector.broadcast %mul3A_230 : i32 to vector<16xi32>
      %add3A_232 = arith.addi %add3A_231, %iota3A : vector<16xi32>
      %mul3A_233 = arith.constant 16 : i32
      %mul3A_234 = vector.broadcast %mul3A_233 : i32 to vector<16xi32>
      %mul3A_235 = arith.muli %add3A_232, %mul3A_234 : vector<16xi32>
      %add3A_236 = arith.constant 4 : i32
      %add3A_237 = vector.broadcast %add3A_236 : i32 to vector<16xi32>
      %add3A_238 = arith.addi %mul3A_235, %add3A_237 : vector<16xi32>
      %gather3A_239 = tpu.vector_load_idx %arg6[%add3A_238] : memref<2048xi32, #tpu.memory_space<vmem>>[vector<16xi32>], vector<16xi32>,
      %mul3A_240 = arith.constant 16 : i32
      %mul3A_241 = arith.muli %scan3A_167, %mul3A_240 : i32
      %add3A_242 = vector.broadcast %mul3A_241 : i32 to vector<16xi32>
      %add3A_243 = arith.addi %add3A_242, %iota3A : vector<16xi32>
      %mul3A_244 = arith.constant 16 : i32
      %mul3A_245 = vector.broadcast %mul3A_244 : i32 to vector<16xi32>
      %mul3A_246 = arith.muli %add3A_243, %mul3A_245 : vector<16xi32>
      %add3A_247 = arith.constant 5 : i32
      %add3A_248 = vector.broadcast %add3A_247 : i32 to vector<16xi32>
      %add3A_249 = arith.addi %mul3A_246, %add3A_248 : vector<16xi32>
      %gather3A_250 = tpu.vector_load_idx %arg6[%add3A_249] : memref<2048xi32, #tpu.memory_space<vmem>>[vector<16xi32>], vector<16xi32>,
      %mul3A_251 = arith.constant 16 : i32
      %mul3A_252 = arith.muli %scan3A_167, %mul3A_251 : i32
      %add3A_253 = vector.broadcast %mul3A_252 : i32 to vector<16xi32>
      %add3A_254 = arith.addi %add3A_253, %iota3A : vector<16xi32>
      %mul3A_255 = arith.constant 16 : i32
      %mul3A_256 = vector.broadcast %mul3A_255 : i32 to vector<16xi32>
      %mul3A_257 = arith.muli %add3A_254, %mul3A_256 : vector<16xi32>
      %add3A_258 = arith.constant 6 : i32
      %add3A_259 = vector.broadcast %add3A_258 : i32 to vector<16xi32>
      %add3A_260 = arith.addi %mul3A_257, %add3A_259 : vector<16xi32>
      %gather3A_261 = tpu.vector_load_idx %arg6[%add3A_260] : memref<2048xi32, #tpu.memory_space<vmem>>[vector<16xi32>], vector<16xi32>,
      %mul3A_262 = arith.constant 16 : i32
      %mul3A_263 = arith.muli %scan3A_167, %mul3A_262 : i32
      %add3A_264 = vector.broadcast %mul3A_263 : i32 to vector<16xi32>
      %add3A_265 = arith.addi %add3A_264, %iota3A : vector<16xi32>
      %mul3A_266 = arith.constant 16 : i32
      %mul3A_267 = vector.broadcast %mul3A_266 : i32 to vector<16xi32>
      %mul3A_268 = arith.muli %add3A_265, %mul3A_267 : vector<16xi32>
      %add3A_269 = arith.constant 7 : i32
      %add3A_270 = vector.broadcast %add3A_269 : i32 to vector<16xi32>
      %add3A_271 = arith.addi %mul3A_268, %add3A_270 : vector<16xi32>
      %gather3A_272 = tpu.vector_load_idx %arg6[%add3A_271] : memref<2048xi32, #tpu.memory_space<vmem>>[vector<16xi32>], vector<16xi32>,
      %mul3A_273 = arith.constant 16 : i32
      %mul3A_274 = arith.muli %scan3A_167, %mul3A_273 : i32
      %add3A_275 = vector.broadcast %mul3A_274 : i32 to vector<16xi32>
      %add3A_276 = arith.addi %add3A_275, %iota3A : vector<16xi32>
      %mul3A_277 = arith.constant 16 : i32
      %mul3A_278 = vector.broadcast %mul3A_277 : i32 to vector<16xi32>
      %mul3A_279 = arith.muli %add3A_276, %mul3A_278 : vector<16xi32>
      %add3A_280 = arith.constant 8 : i32
      %add3A_281 = vector.broadcast %add3A_280 : i32 to vector<16xi32>
      %add3A_282 = arith.addi %mul3A_279, %add3A_281 : vector<16xi32>
      %gather3A_283 = tpu.vector_load_idx %arg6[%add3A_282] : memref<2048xi32, #tpu.memory_space<vmem>>[vector<16xi32>], vector<16xi32>,
      %mul3A_284 = arith.constant 16 : i32
      %mul3A_285 = arith.muli %scan3A_167, %mul3A_284 : i32
      %add3A_286 = vector.broadcast %mul3A_285 : i32 to vector<16xi32>
      %add3A_287 = arith.addi %add3A_286, %iota3A : vector<16xi32>
      %mul3A_288 = arith.constant 16 : i32
      %mul3A_289 = vector.broadcast %mul3A_288 : i32 to vector<16xi32>
      %mul3A_290 = arith.muli %add3A_287, %mul3A_289 : vector<16xi32>
      %add3A_291 = arith.constant 9 : i32
      %add3A_292 = vector.broadcast %add3A_291 : i32 to vector<16xi32>
      %add3A_293 = arith.addi %mul3A_290, %add3A_292 : vector<16xi32>
      %gather3A_294 = tpu.vector_load_idx %arg6[%add3A_293] : memref<2048xi32, #tpu.memory_space<vmem>>[vector<16xi32>], vector<16xi32>,
      %mul3A_295 = arith.constant 16 : i32
      %mul3A_296 = arith.muli %scan3A_167, %mul3A_295 : i32
      %add3A_297 = vector.broadcast %mul3A_296 : i32 to vector<16xi32>
      %add3A_298 = arith.addi %add3A_297, %iota3A : vector<16xi32>
      %mul3A_299 = arith.constant 16 : i32
      %mul3A_300 = vector.broadcast %mul3A_299 : i32 to vector<16xi32>
      %mul3A_301 = arith.muli %add3A_298, %mul3A_300 : vector<16xi32>
      %add3A_302 = arith.constant 10 : i32
      %add3A_303 = vector.broadcast %add3A_302 : i32 to vector<16xi32>
      %add3A_304 = arith.addi %mul3A_301, %add3A_303 : vector<16xi32>
      %gather3A_305 = tpu.vector_load_idx %arg6[%add3A_304] : memref<2048xi32, #tpu.memory_space<vmem>>[vector<16xi32>], vector<16xi32>,
      %mul3A_306 = arith.constant 16 : i32
      %mul3A_307 = arith.muli %scan3A_167, %mul3A_306 : i32
      %add3A_308 = vector.broadcast %mul3A_307 : i32 to vector<16xi32>
      %add3A_309 = arith.addi %add3A_308, %iota3A : vector<16xi32>
      %mul3A_310 = arith.constant 16 : i32
      %mul3A_311 = vector.broadcast %mul3A_310 : i32 to vector<16xi32>
      %mul3A_312 = arith.muli %add3A_309, %mul3A_311 : vector<16xi32>
      %add3A_313 = arith.constant 11 : i32
      %add3A_314 = vector.broadcast %add3A_313 : i32 to vector<16xi32>
      %add3A_315 = arith.addi %mul3A_312, %add3A_314 : vector<16xi32>
      %gather3A_316 = tpu.vector_load_idx %arg6[%add3A_315] : memref<2048xi32, #tpu.memory_space<vmem>>[vector<16xi32>], vector<16xi32>,
      %mul3A_317 = arith.constant 16 : i32
      %mul3A_318 = arith.muli %scan3A_167, %mul3A_317 : i32
      %add3A_319 = vector.broadcast %mul3A_318 : i32 to vector<16xi32>
      %add3A_320 = arith.addi %add3A_319, %iota3A : vector<16xi32>
      %mul3A_321 = arith.constant 16 : i32
      %mul3A_322 = vector.broadcast %mul3A_321 : i32 to vector<16xi32>
      %mul3A_323 = arith.muli %add3A_320, %mul3A_322 : vector<16xi32>
      %add3A_324 = arith.constant 12 : i32
      %add3A_325 = vector.broadcast %add3A_324 : i32 to vector<16xi32>
      %add3A_326 = arith.addi %mul3A_323, %add3A_325 : vector<16xi32>
      %gather3A_327 = tpu.vector_load_idx %arg6[%add3A_326] : memref<2048xi32, #tpu.memory_space<vmem>>[vector<16xi32>], vector<16xi32>,
      %mul3A_328 = arith.constant 16 : i32
      %mul3A_329 = arith.muli %scan3A_167, %mul3A_328 : i32
      %add3A_330 = vector.broadcast %mul3A_329 : i32 to vector<16xi32>
      %add3A_331 = arith.addi %add3A_330, %iota3A : vector<16xi32>
      %mul3A_332 = arith.constant 16 : i32
      %mul3A_333 = vector.broadcast %mul3A_332 : i32 to vector<16xi32>
      %mul3A_334 = arith.muli %add3A_331, %mul3A_333 : vector<16xi32>
      %add3A_335 = arith.constant 13 : i32
      %add3A_336 = vector.broadcast %add3A_335 : i32 to vector<16xi32>
      %add3A_337 = arith.addi %mul3A_334, %add3A_336 : vector<16xi32>
      %gather3A_338 = tpu.vector_load_idx %arg6[%add3A_337] : memref<2048xi32, #tpu.memory_space<vmem>>[vector<16xi32>], vector<16xi32>,
      %mul3A_339 = arith.constant 16 : i32
      %mul3A_340 = arith.muli %scan3A_167, %mul3A_339 : i32
      %add3A_341 = vector.broadcast %mul3A_340 : i32 to vector<16xi32>
      %add3A_342 = arith.addi %add3A_341, %iota3A : vector<16xi32>
      %mul3A_343 = arith.constant 16 : i32
      %mul3A_344 = vector.broadcast %mul3A_343 : i32 to vector<16xi32>
      %mul3A_345 = arith.muli %add3A_342, %mul3A_344 : vector<16xi32>
      %add3A_346 = arith.constant 14 : i32
      %add3A_347 = vector.broadcast %add3A_346 : i32 to vector<16xi32>
      %add3A_348 = arith.addi %mul3A_345, %add3A_347 : vector<16xi32>
      %gather3A_349 = tpu.vector_load_idx %arg6[%add3A_348] : memref<2048xi32, #tpu.memory_space<vmem>>[vector<16xi32>], vector<16xi32>,
      %mul3A_350 = arith.constant 16 : i32
      %mul3A_351 = arith.muli %scan3A_167, %mul3A_350 : i32
      %add3A_352 = vector.broadcast %mul3A_351 : i32 to vector<16xi32>
      %add3A_353 = arith.addi %add3A_352, %iota3A : vector<16xi32>
      %mul3A_354 = arith.constant 16 : i32
      %mul3A_355 = vector.broadcast %mul3A_354 : i32 to vector<16xi32>
      %mul3A_356 = arith.muli %add3A_353, %mul3A_355 : vector<16xi32>
      %add3A_357 = arith.constant 15 : i32
      %add3A_358 = vector.broadcast %add3A_357 : i32 to vector<16xi32>
      %add3A_359 = arith.addi %mul3A_356, %add3A_358 : vector<16xi32>
      %gather3A_360 = tpu.vector_load_idx %arg6[%add3A_359] : memref<2048xi32, #tpu.memory_space<vmem>>[vector<16xi32>], vector<16xi32>,
      %gather3A_361 = tpu.vector_load_idx %arg5[%add3A_185, %gather3A] : memref<128x401xf32, #tpu.memory_space<vmem>>[vector<16xi32>, vector<16xi32>], vector<16xf32>,
      %ne3A_362 = arith.constant 0 : i32
      %ne3A_363 = vector.broadcast %ne3A_362 : i32 to vector<16xi32>
      %ne3A_364 = arith.cmpi ne, %gather3A, %ne3A_363 : vector<16xi32>
      %select_n3A_365 = arith.select %ne3A_364, %broadcast_in_dim3A_124, %broadcast_in_dim3A_126 : vector<16xi1>, vector<16xf32>
      %mul3A_366 = arith.mulf %select_n3A_365, %gather3A_361 : vector<16xf32>
      %add3A_367 = arith.addf %broadcast_in_dim3A_126, %mul3A_366 : vector<16xf32>
      %add3A_368 = arith.addf %broadcast_in_dim3A_126, %select_n3A_365 : vector<16xf32>
      %select_n3A_369 = arith.select %ne3A_364, %broadcast_in_dim3A_124, %broadcast_in_dim3A_126 : vector<16xi1>, vector<16xf32>
      %add3A_370 = arith.addf %broadcast_in_dim3A_126, %select_n3A_369 : vector<16xf32>
      %gather3A_371 = tpu.vector_load_idx %arg5[%add3A_185, %gather3A_206] : memref<128x401xf32, #tpu.memory_space<vmem>>[vector<16xi32>, vector<16xi32>], vector<16xf32>,
      %ne3A_372 = arith.constant 0 : i32
      %ne3A_373 = vector.broadcast %ne3A_372 : i32 to vector<16xi32>
      %ne3A_374 = arith.cmpi ne, %gather3A_206, %ne3A_373 : vector<16xi32>
      %ne3A_375 = arith.cmpi ne, %gather3A_206, %gather3A : vector<16xi32>
      %and3A_376 = arith.andi %ne3A_374, %ne3A_375 : vector<16xi1>
      %select_n3A_377 = arith.select %and3A_376, %broadcast_in_dim3A_124, %broadcast_in_dim3A_126 : vector<16xi1>, vector<16xf32>
      %mul3A_378 = arith.mulf %select_n3A_377, %gather3A_371 : vector<16xf32>
      %add3A_379 = arith.addf %add3A_367, %mul3A_378 : vector<16xf32>
      %add3A_380 = arith.addf %add3A_368, %select_n3A_377 : vector<16xf32>
      %select_n3A_381 = arith.select %ne3A_374, %broadcast_in_dim3A_124, %broadcast_in_dim3A_126 : vector<16xi1>, vector<16xf32>
      %add3A_382 = arith.addf %add3A_370, %select_n3A_381 : vector<16xf32>
      %gather3A_383 = tpu.vector_load_idx %arg5[%add3A_185, %gather3A_217] : memref<128x401xf32, #tpu.memory_space<vmem>>[vector<16xi32>, vector<16xi32>], vector<16xf32>,
      %ne3A_384 = arith.constant 0 : i32
      %ne3A_385 = vector.broadcast %ne3A_384 : i32 to vector<16xi32>
      %ne3A_386 = arith.cmpi ne, %gather3A_217, %ne3A_385 : vector<16xi32>
      %ne3A_387 = arith.cmpi ne, %gather3A_217, %gather3A : vector<16xi32>
      %and3A_388 = arith.andi %ne3A_386, %ne3A_387 : vector<16xi1>
      %ne3A_389 = arith.cmpi ne, %gather3A_217, %gather3A_206 : vector<16xi32>
      %and3A_390 = arith.andi %and3A_388, %ne3A_389 : vector<16xi1>
      %select_n3A_391 = arith.select %and3A_390, %broadcast_in_dim3A_124, %broadcast_in_dim3A_126 : vector<16xi1>, vector<16xf32>
      %mul3A_392 = arith.mulf %select_n3A_391, %gather3A_383 : vector<16xf32>
      %add3A_393 = arith.addf %add3A_379, %mul3A_392 : vector<16xf32>
      %add3A_394 = arith.addf %add3A_380, %select_n3A_391 : vector<16xf32>
      %select_n3A_395 = arith.select %ne3A_386, %broadcast_in_dim3A_124, %broadcast_in_dim3A_126 : vector<16xi1>, vector<16xf32>
      %add3A_396 = arith.addf %add3A_382, %select_n3A_395 : vector<16xf32>
      %gather3A_397 = tpu.vector_load_idx %arg5[%add3A_185, %gather3A_228] : memref<128x401xf32, #tpu.memory_space<vmem>>[vector<16xi32>, vector<16xi32>], vector<16xf32>,
      %ne3A_398 = arith.constant 0 : i32
      %ne3A_399 = vector.broadcast %ne3A_398 : i32 to vector<16xi32>
      %ne3A_400 = arith.cmpi ne, %gather3A_228, %ne3A_399 : vector<16xi32>
      %ne3A_401 = arith.cmpi ne, %gather3A_228, %gather3A : vector<16xi32>
      %and3A_402 = arith.andi %ne3A_400, %ne3A_401 : vector<16xi1>
      %ne3A_403 = arith.cmpi ne, %gather3A_228, %gather3A_206 : vector<16xi32>
      %and3A_404 = arith.andi %and3A_402, %ne3A_403 : vector<16xi1>
      %ne3A_405 = arith.cmpi ne, %gather3A_228, %gather3A_217 : vector<16xi32>
      %and3A_406 = arith.andi %and3A_404, %ne3A_405 : vector<16xi1>
      %select_n3A_407 = arith.select %and3A_406, %broadcast_in_dim3A_124, %broadcast_in_dim3A_126 : vector<16xi1>, vector<16xf32>
      %mul3A_408 = arith.mulf %select_n3A_407, %gather3A_397 : vector<16xf32>
      %add3A_409 = arith.addf %add3A_393, %mul3A_408 : vector<16xf32>
      %add3A_410 = arith.addf %add3A_394, %select_n3A_407 : vector<16xf32>
      %select_n3A_411 = arith.select %ne3A_400, %broadcast_in_dim3A_124, %broadcast_in_dim3A_126 : vector<16xi1>, vector<16xf32>
      %add3A_412 = arith.addf %add3A_396, %select_n3A_411 : vector<16xf32>
      %gather3A_413 = tpu.vector_load_idx %arg5[%add3A_185, %gather3A_239] : memref<128x401xf32, #tpu.memory_space<vmem>>[vector<16xi32>, vector<16xi32>], vector<16xf32>,
      %ne3A_414 = arith.constant 0 : i32
      %ne3A_415 = vector.broadcast %ne3A_414 : i32 to vector<16xi32>
      %ne3A_416 = arith.cmpi ne, %gather3A_239, %ne3A_415 : vector<16xi32>
      %ne3A_417 = arith.cmpi ne, %gather3A_239, %gather3A : vector<16xi32>
      %and3A_418 = arith.andi %ne3A_416, %ne3A_417 : vector<16xi1>
      %ne3A_419 = arith.cmpi ne, %gather3A_239, %gather3A_206 : vector<16xi32>
      %and3A_420 = arith.andi %and3A_418, %ne3A_419 : vector<16xi1>
      %ne3A_421 = arith.cmpi ne, %gather3A_239, %gather3A_217 : vector<16xi32>
      %and3A_422 = arith.andi %and3A_420, %ne3A_421 : vector<16xi1>
      %ne3A_423 = arith.cmpi ne, %gather3A_239, %gather3A_228 : vector<16xi32>
      %and3A_424 = arith.andi %and3A_422, %ne3A_423 : vector<16xi1>
      %select_n3A_425 = arith.select %and3A_424, %broadcast_in_dim3A_124, %broadcast_in_dim3A_126 : vector<16xi1>, vector<16xf32>
      %mul3A_426 = arith.mulf %select_n3A_425, %gather3A_413 : vector<16xf32>
      %add3A_427 = arith.addf %add3A_409, %mul3A_426 : vector<16xf32>
      %add3A_428 = arith.addf %add3A_410, %select_n3A_425 : vector<16xf32>
      %select_n3A_429 = arith.select %ne3A_416, %broadcast_in_dim3A_124, %broadcast_in_dim3A_126 : vector<16xi1>, vector<16xf32>
      %add3A_430 = arith.addf %add3A_412, %select_n3A_429 : vector<16xf32>
      %gather3A_431 = tpu.vector_load_idx %arg5[%add3A_185, %gather3A_250] : memref<128x401xf32, #tpu.memory_space<vmem>>[vector<16xi32>, vector<16xi32>], vector<16xf32>,
      %ne3A_432 = arith.constant 0 : i32
      %ne3A_433 = vector.broadcast %ne3A_432 : i32 to vector<16xi32>
      %ne3A_434 = arith.cmpi ne, %gather3A_250, %ne3A_433 : vector<16xi32>
      %ne3A_435 = arith.cmpi ne, %gather3A_250, %gather3A : vector<16xi32>
      %and3A_436 = arith.andi %ne3A_434, %ne3A_435 : vector<16xi1>
      %ne3A_437 = arith.cmpi ne, %gather3A_250, %gather3A_206 : vector<16xi32>
      %and3A_438 = arith.andi %and3A_436, %ne3A_437 : vector<16xi1>
      %ne3A_439 = arith.cmpi ne, %gather3A_250, %gather3A_217 : vector<16xi32>
      %and3A_440 = arith.andi %and3A_438, %ne3A_439 : vector<16xi1>
      %ne3A_441 = arith.cmpi ne, %gather3A_250, %gather3A_228 : vector<16xi32>
      %and3A_442 = arith.andi %and3A_440, %ne3A_441 : vector<16xi1>
      %ne3A_443 = arith.cmpi ne, %gather3A_250, %gather3A_239 : vector<16xi32>
      %and3A_444 = arith.andi %and3A_442, %ne3A_443 : vector<16xi1>
      %select_n3A_445 = arith.select %and3A_444, %broadcast_in_dim3A_124, %broadcast_in_dim3A_126 : vector<16xi1>, vector<16xf32>
      %mul3A_446 = arith.mulf %select_n3A_445, %gather3A_431 : vector<16xf32>
      %add3A_447 = arith.addf %add3A_427, %mul3A_446 : vector<16xf32>
      %add3A_448 = arith.addf %add3A_428, %select_n3A_445 : vector<16xf32>
      %select_n3A_449 = arith.select %ne3A_434, %broadcast_in_dim3A_124, %broadcast_in_dim3A_126 : vector<16xi1>, vector<16xf32>
      %add3A_450 = arith.addf %add3A_430, %select_n3A_449 : vector<16xf32>
      %gather3A_451 = tpu.vector_load_idx %arg5[%add3A_185, %gather3A_261] : memref<128x401xf32, #tpu.memory_space<vmem>>[vector<16xi32>, vector<16xi32>], vector<16xf32>,
      %ne3A_452 = arith.constant 0 : i32
      %ne3A_453 = vector.broadcast %ne3A_452 : i32 to vector<16xi32>
      %ne3A_454 = arith.cmpi ne, %gather3A_261, %ne3A_453 : vector<16xi32>
      %ne3A_455 = arith.cmpi ne, %gather3A_261, %gather3A : vector<16xi32>
      %and3A_456 = arith.andi %ne3A_454, %ne3A_455 : vector<16xi1>
      %ne3A_457 = arith.cmpi ne, %gather3A_261, %gather3A_206 : vector<16xi32>
      %and3A_458 = arith.andi %and3A_456, %ne3A_457 : vector<16xi1>
      %ne3A_459 = arith.cmpi ne, %gather3A_261, %gather3A_217 : vector<16xi32>
      %and3A_460 = arith.andi %and3A_458, %ne3A_459 : vector<16xi1>
      %ne3A_461 = arith.cmpi ne, %gather3A_261, %gather3A_228 : vector<16xi32>
      %and3A_462 = arith.andi %and3A_460, %ne3A_461 : vector<16xi1>
      %ne3A_463 = arith.cmpi ne, %gather3A_261, %gather3A_239 : vector<16xi32>
      %and3A_464 = arith.andi %and3A_462, %ne3A_463 : vector<16xi1>
      %ne3A_465 = arith.cmpi ne, %gather3A_261, %gather3A_250 : vector<16xi32>
      %and3A_466 = arith.andi %and3A_464, %ne3A_465 : vector<16xi1>
      %select_n3A_467 = arith.select %and3A_466, %broadcast_in_dim3A_124, %broadcast_in_dim3A_126 : vector<16xi1>, vector<16xf32>
      %mul3A_468 = arith.mulf %select_n3A_467, %gather3A_451 : vector<16xf32>
      %add3A_469 = arith.addf %add3A_447, %mul3A_468 : vector<16xf32>
      %add3A_470 = arith.addf %add3A_448, %select_n3A_467 : vector<16xf32>
      %select_n3A_471 = arith.select %ne3A_454, %broadcast_in_dim3A_124, %broadcast_in_dim3A_126 : vector<16xi1>, vector<16xf32>
      %add3A_472 = arith.addf %add3A_450, %select_n3A_471 : vector<16xf32>
      %gather3A_473 = tpu.vector_load_idx %arg5[%add3A_185, %gather3A_272] : memref<128x401xf32, #tpu.memory_space<vmem>>[vector<16xi32>, vector<16xi32>], vector<16xf32>,
      %ne3A_474 = arith.constant 0 : i32
      %ne3A_475 = vector.broadcast %ne3A_474 : i32 to vector<16xi32>
      %ne3A_476 = arith.cmpi ne, %gather3A_272, %ne3A_475 : vector<16xi32>
      %ne3A_477 = arith.cmpi ne, %gather3A_272, %gather3A : vector<16xi32>
      %and3A_478 = arith.andi %ne3A_476, %ne3A_477 : vector<16xi1>
      %ne3A_479 = arith.cmpi ne, %gather3A_272, %gather3A_206 : vector<16xi32>
      %and3A_480 = arith.andi %and3A_478, %ne3A_479 : vector<16xi1>
      %ne3A_481 = arith.cmpi ne, %gather3A_272, %gather3A_217 : vector<16xi32>
      %and3A_482 = arith.andi %and3A_480, %ne3A_481 : vector<16xi1>
      %ne3A_483 = arith.cmpi ne, %gather3A_272, %gather3A_228 : vector<16xi32>
      %and3A_484 = arith.andi %and3A_482, %ne3A_483 : vector<16xi1>
      %ne3A_485 = arith.cmpi ne, %gather3A_272, %gather3A_239 : vector<16xi32>
      %and3A_486 = arith.andi %and3A_484, %ne3A_485 : vector<16xi1>
      %ne3A_487 = arith.cmpi ne, %gather3A_272, %gather3A_250 : vector<16xi32>
      %and3A_488 = arith.andi %and3A_486, %ne3A_487 : vector<16xi1>
      %ne3A_489 = arith.cmpi ne, %gather3A_272, %gather3A_261 : vector<16xi32>
      %and3A_490 = arith.andi %and3A_488, %ne3A_489 : vector<16xi1>
      %select_n3A_491 = arith.select %and3A_490, %broadcast_in_dim3A_124, %broadcast_in_dim3A_126 : vector<16xi1>, vector<16xf32>
      %mul3A_492 = arith.mulf %select_n3A_491, %gather3A_473 : vector<16xf32>
      %add3A_493 = arith.addf %add3A_469, %mul3A_492 : vector<16xf32>
      %add3A_494 = arith.addf %add3A_470, %select_n3A_491 : vector<16xf32>
      %select_n3A_495 = arith.select %ne3A_476, %broadcast_in_dim3A_124, %broadcast_in_dim3A_126 : vector<16xi1>, vector<16xf32>
      %add3A_496 = arith.addf %add3A_472, %select_n3A_495 : vector<16xf32>
      %gather3A_497 = tpu.vector_load_idx %arg5[%add3A_185, %gather3A_283] : memref<128x401xf32, #tpu.memory_space<vmem>>[vector<16xi32>, vector<16xi32>], vector<16xf32>,
      %ne3A_498 = arith.constant 0 : i32
      %ne3A_499 = vector.broadcast %ne3A_498 : i32 to vector<16xi32>
      %ne3A_500 = arith.cmpi ne, %gather3A_283, %ne3A_499 : vector<16xi32>
      %ne3A_501 = arith.cmpi ne, %gather3A_283, %gather3A : vector<16xi32>
      %and3A_502 = arith.andi %ne3A_500, %ne3A_501 : vector<16xi1>
      %ne3A_503 = arith.cmpi ne, %gather3A_283, %gather3A_206 : vector<16xi32>
      %and3A_504 = arith.andi %and3A_502, %ne3A_503 : vector<16xi1>
      %ne3A_505 = arith.cmpi ne, %gather3A_283, %gather3A_217 : vector<16xi32>
      %and3A_506 = arith.andi %and3A_504, %ne3A_505 : vector<16xi1>
      %ne3A_507 = arith.cmpi ne, %gather3A_283, %gather3A_228 : vector<16xi32>
      %and3A_508 = arith.andi %and3A_506, %ne3A_507 : vector<16xi1>
      %ne3A_509 = arith.cmpi ne, %gather3A_283, %gather3A_239 : vector<16xi32>
      %and3A_510 = arith.andi %and3A_508, %ne3A_509 : vector<16xi1>
      %ne3A_511 = arith.cmpi ne, %gather3A_283, %gather3A_250 : vector<16xi32>
      %and3A_512 = arith.andi %and3A_510, %ne3A_511 : vector<16xi1>
      %ne3A_513 = arith.cmpi ne, %gather3A_283, %gather3A_261 : vector<16xi32>
      %and3A_514 = arith.andi %and3A_512, %ne3A_513 : vector<16xi1>
      %ne3A_515 = arith.cmpi ne, %gather3A_283, %gather3A_272 : vector<16xi32>
      %and3A_516 = arith.andi %and3A_514, %ne3A_515 : vector<16xi1>
      %select_n3A_517 = arith.select %and3A_516, %broadcast_in_dim3A_124, %broadcast_in_dim3A_126 : vector<16xi1>, vector<16xf32>
      %mul3A_518 = arith.mulf %select_n3A_517, %gather3A_497 : vector<16xf32>
      %add3A_519 = arith.addf %add3A_493, %mul3A_518 : vector<16xf32>
      %add3A_520 = arith.addf %add3A_494, %select_n3A_517 : vector<16xf32>
      %select_n3A_521 = arith.select %ne3A_500, %broadcast_in_dim3A_124, %broadcast_in_dim3A_126 : vector<16xi1>, vector<16xf32>
      %add3A_522 = arith.addf %add3A_496, %select_n3A_521 : vector<16xf32>
      %gather3A_523 = tpu.vector_load_idx %arg5[%add3A_185, %gather3A_294] : memref<128x401xf32, #tpu.memory_space<vmem>>[vector<16xi32>, vector<16xi32>], vector<16xf32>,
      %ne3A_524 = arith.constant 0 : i32
      %ne3A_525 = vector.broadcast %ne3A_524 : i32 to vector<16xi32>
      %ne3A_526 = arith.cmpi ne, %gather3A_294, %ne3A_525 : vector<16xi32>
      %ne3A_527 = arith.cmpi ne, %gather3A_294, %gather3A : vector<16xi32>
      %and3A_528 = arith.andi %ne3A_526, %ne3A_527 : vector<16xi1>
      %ne3A_529 = arith.cmpi ne, %gather3A_294, %gather3A_206 : vector<16xi32>
      %and3A_530 = arith.andi %and3A_528, %ne3A_529 : vector<16xi1>
      %ne3A_531 = arith.cmpi ne, %gather3A_294, %gather3A_217 : vector<16xi32>
      %and3A_532 = arith.andi %and3A_530, %ne3A_531 : vector<16xi1>
      %ne3A_533 = arith.cmpi ne, %gather3A_294, %gather3A_228 : vector<16xi32>
      %and3A_534 = arith.andi %and3A_532, %ne3A_533 : vector<16xi1>
      %ne3A_535 = arith.cmpi ne, %gather3A_294, %gather3A_239 : vector<16xi32>
      %and3A_536 = arith.andi %and3A_534, %ne3A_535 : vector<16xi1>
      %ne3A_537 = arith.cmpi ne, %gather3A_294, %gather3A_250 : vector<16xi32>
      %and3A_538 = arith.andi %and3A_536, %ne3A_537 : vector<16xi1>
      %ne3A_539 = arith.cmpi ne, %gather3A_294, %gather3A_261 : vector<16xi32>
      %and3A_540 = arith.andi %and3A_538, %ne3A_539 : vector<16xi1>
      %ne3A_541 = arith.cmpi ne, %gather3A_294, %gather3A_272 : vector<16xi32>
      %and3A_542 = arith.andi %and3A_540, %ne3A_541 : vector<16xi1>
      %ne3A_543 = arith.cmpi ne, %gather3A_294, %gather3A_283 : vector<16xi32>
      %and3A_544 = arith.andi %and3A_542, %ne3A_543 : vector<16xi1>
      %select_n3A_545 = arith.select %and3A_544, %broadcast_in_dim3A_124, %broadcast_in_dim3A_126 : vector<16xi1>, vector<16xf32>
      %mul3A_546 = arith.mulf %select_n3A_545, %gather3A_523 : vector<16xf32>
      %add3A_547 = arith.addf %add3A_519, %mul3A_546 : vector<16xf32>
      %add3A_548 = arith.addf %add3A_520, %select_n3A_545 : vector<16xf32>
      %select_n3A_549 = arith.select %ne3A_526, %broadcast_in_dim3A_124, %broadcast_in_dim3A_126 : vector<16xi1>, vector<16xf32>
      %add3A_550 = arith.addf %add3A_522, %select_n3A_549 : vector<16xf32>
      %gather3A_551 = tpu.vector_load_idx %arg5[%add3A_185, %gather3A_305] : memref<128x401xf32, #tpu.memory_space<vmem>>[vector<16xi32>, vector<16xi32>], vector<16xf32>,
      %ne3A_552 = arith.constant 0 : i32
      %ne3A_553 = vector.broadcast %ne3A_552 : i32 to vector<16xi32>
      %ne3A_554 = arith.cmpi ne, %gather3A_305, %ne3A_553 : vector<16xi32>
      %ne3A_555 = arith.cmpi ne, %gather3A_305, %gather3A : vector<16xi32>
      %and3A_556 = arith.andi %ne3A_554, %ne3A_555 : vector<16xi1>
      %ne3A_557 = arith.cmpi ne, %gather3A_305, %gather3A_206 : vector<16xi32>
      %and3A_558 = arith.andi %and3A_556, %ne3A_557 : vector<16xi1>
      %ne3A_559 = arith.cmpi ne, %gather3A_305, %gather3A_217 : vector<16xi32>
      %and3A_560 = arith.andi %and3A_558, %ne3A_559 : vector<16xi1>
      %ne3A_561 = arith.cmpi ne, %gather3A_305, %gather3A_228 : vector<16xi32>
      %and3A_562 = arith.andi %and3A_560, %ne3A_561 : vector<16xi1>
      %ne3A_563 = arith.cmpi ne, %gather3A_305, %gather3A_239 : vector<16xi32>
      %and3A_564 = arith.andi %and3A_562, %ne3A_563 : vector<16xi1>
      %ne3A_565 = arith.cmpi ne, %gather3A_305, %gather3A_250 : vector<16xi32>
      %and3A_566 = arith.andi %and3A_564, %ne3A_565 : vector<16xi1>
      %ne3A_567 = arith.cmpi ne, %gather3A_305, %gather3A_261 : vector<16xi32>
      %and3A_568 = arith.andi %and3A_566, %ne3A_567 : vector<16xi1>
      %ne3A_569 = arith.cmpi ne, %gather3A_305, %gather3A_272 : vector<16xi32>
      %and3A_570 = arith.andi %and3A_568, %ne3A_569 : vector<16xi1>
      %ne3A_571 = arith.cmpi ne, %gather3A_305, %gather3A_283 : vector<16xi32>
      %and3A_572 = arith.andi %and3A_570, %ne3A_571 : vector<16xi1>
      %ne3A_573 = arith.cmpi ne, %gather3A_305, %gather3A_294 : vector<16xi32>
      %and3A_574 = arith.andi %and3A_572, %ne3A_573 : vector<16xi1>
      %select_n3A_575 = arith.select %and3A_574, %broadcast_in_dim3A_124, %broadcast_in_dim3A_126 : vector<16xi1>, vector<16xf32>
      %mul3A_576 = arith.mulf %select_n3A_575, %gather3A_551 : vector<16xf32>
      %add3A_577 = arith.addf %add3A_547, %mul3A_576 : vector<16xf32>
      %add3A_578 = arith.addf %add3A_548, %select_n3A_575 : vector<16xf32>
      %select_n3A_579 = arith.select %ne3A_554, %broadcast_in_dim3A_124, %broadcast_in_dim3A_126 : vector<16xi1>, vector<16xf32>
      %add3A_580 = arith.addf %add3A_550, %select_n3A_579 : vector<16xf32>
      %gather3A_581 = tpu.vector_load_idx %arg5[%add3A_185, %gather3A_316] : memref<128x401xf32, #tpu.memory_space<vmem>>[vector<16xi32>, vector<16xi32>], vector<16xf32>,
      %ne3A_582 = arith.constant 0 : i32
      %ne3A_583 = vector.broadcast %ne3A_582 : i32 to vector<16xi32>
      %ne3A_584 = arith.cmpi ne, %gather3A_316, %ne3A_583 : vector<16xi32>
      %ne3A_585 = arith.cmpi ne, %gather3A_316, %gather3A : vector<16xi32>
      %and3A_586 = arith.andi %ne3A_584, %ne3A_585 : vector<16xi1>
      %ne3A_587 = arith.cmpi ne, %gather3A_316, %gather3A_206 : vector<16xi32>
      %and3A_588 = arith.andi %and3A_586, %ne3A_587 : vector<16xi1>
      %ne3A_589 = arith.cmpi ne, %gather3A_316, %gather3A_217 : vector<16xi32>
      %and3A_590 = arith.andi %and3A_588, %ne3A_589 : vector<16xi1>
      %ne3A_591 = arith.cmpi ne, %gather3A_316, %gather3A_228 : vector<16xi32>
      %and3A_592 = arith.andi %and3A_590, %ne3A_591 : vector<16xi1>
      %ne3A_593 = arith.cmpi ne, %gather3A_316, %gather3A_239 : vector<16xi32>
      %and3A_594 = arith.andi %and3A_592, %ne3A_593 : vector<16xi1>
      %ne3A_595 = arith.cmpi ne, %gather3A_316, %gather3A_250 : vector<16xi32>
      %and3A_596 = arith.andi %and3A_594, %ne3A_595 : vector<16xi1>
      %ne3A_597 = arith.cmpi ne, %gather3A_316, %gather3A_261 : vector<16xi32>
      %and3A_598 = arith.andi %and3A_596, %ne3A_597 : vector<16xi1>
      %ne3A_599 = arith.cmpi ne, %gather3A_316, %gather3A_272 : vector<16xi32>
      %and3A_600 = arith.andi %and3A_598, %ne3A_599 : vector<16xi1>
      %ne3A_601 = arith.cmpi ne, %gather3A_316, %gather3A_283 : vector<16xi32>
      %and3A_602 = arith.andi %and3A_600, %ne3A_601 : vector<16xi1>
      %ne3A_603 = arith.cmpi ne, %gather3A_316, %gather3A_294 : vector<16xi32>
      %and3A_604 = arith.andi %and3A_602, %ne3A_603 : vector<16xi1>
      %ne3A_605 = arith.cmpi ne, %gather3A_316, %gather3A_305 : vector<16xi32>
      %and3A_606 = arith.andi %and3A_604, %ne3A_605 : vector<16xi1>
      %select_n3A_607 = arith.select %and3A_606, %broadcast_in_dim3A_124, %broadcast_in_dim3A_126 : vector<16xi1>, vector<16xf32>
      %mul3A_608 = arith.mulf %select_n3A_607, %gather3A_581 : vector<16xf32>
      %add3A_609 = arith.addf %add3A_577, %mul3A_608 : vector<16xf32>
      %add3A_610 = arith.addf %add3A_578, %select_n3A_607 : vector<16xf32>
      %select_n3A_611 = arith.select %ne3A_584, %broadcast_in_dim3A_124, %broadcast_in_dim3A_126 : vector<16xi1>, vector<16xf32>
      %add3A_612 = arith.addf %add3A_580, %select_n3A_611 : vector<16xf32>
      %gather3A_613 = tpu.vector_load_idx %arg5[%add3A_185, %gather3A_327] : memref<128x401xf32, #tpu.memory_space<vmem>>[vector<16xi32>, vector<16xi32>], vector<16xf32>,
      %ne3A_614 = arith.constant 0 : i32
      %ne3A_615 = vector.broadcast %ne3A_614 : i32 to vector<16xi32>
      %ne3A_616 = arith.cmpi ne, %gather3A_327, %ne3A_615 : vector<16xi32>
      %ne3A_617 = arith.cmpi ne, %gather3A_327, %gather3A : vector<16xi32>
      %and3A_618 = arith.andi %ne3A_616, %ne3A_617 : vector<16xi1>
      %ne3A_619 = arith.cmpi ne, %gather3A_327, %gather3A_206 : vector<16xi32>
      %and3A_620 = arith.andi %and3A_618, %ne3A_619 : vector<16xi1>
      %ne3A_621 = arith.cmpi ne, %gather3A_327, %gather3A_217 : vector<16xi32>
      %and3A_622 = arith.andi %and3A_620, %ne3A_621 : vector<16xi1>
      %ne3A_623 = arith.cmpi ne, %gather3A_327, %gather3A_228 : vector<16xi32>
      %and3A_624 = arith.andi %and3A_622, %ne3A_623 : vector<16xi1>
      %ne3A_625 = arith.cmpi ne, %gather3A_327, %gather3A_239 : vector<16xi32>
      %and3A_626 = arith.andi %and3A_624, %ne3A_625 : vector<16xi1>
      %ne3A_627 = arith.cmpi ne, %gather3A_327, %gather3A_250 : vector<16xi32>
      %and3A_628 = arith.andi %and3A_626, %ne3A_627 : vector<16xi1>
      %ne3A_629 = arith.cmpi ne, %gather3A_327, %gather3A_261 : vector<16xi32>
      %and3A_630 = arith.andi %and3A_628, %ne3A_629 : vector<16xi1>
      %ne3A_631 = arith.cmpi ne, %gather3A_327, %gather3A_272 : vector<16xi32>
      %and3A_632 = arith.andi %and3A_630, %ne3A_631 : vector<16xi1>
      %ne3A_633 = arith.cmpi ne, %gather3A_327, %gather3A_283 : vector<16xi32>
      %and3A_634 = arith.andi %and3A_632, %ne3A_633 : vector<16xi1>
      %ne3A_635 = arith.cmpi ne, %gather3A_327, %gather3A_294 : vector<16xi32>
      %and3A_636 = arith.andi %and3A_634, %ne3A_635 : vector<16xi1>
      %ne3A_637 = arith.cmpi ne, %gather3A_327, %gather3A_305 : vector<16xi32>
      %and3A_638 = arith.andi %and3A_636, %ne3A_637 : vector<16xi1>
      %ne3A_639 = arith.cmpi ne, %gather3A_327, %gather3A_316 : vector<16xi32>
      %and3A_640 = arith.andi %and3A_638, %ne3A_639 : vector<16xi1>
      %select_n3A_641 = arith.select %and3A_640, %broadcast_in_dim3A_124, %broadcast_in_dim3A_126 : vector<16xi1>, vector<16xf32>
      %mul3A_642 = arith.mulf %select_n3A_641, %gather3A_613 : vector<16xf32>
      %add3A_643 = arith.addf %add3A_609, %mul3A_642 : vector<16xf32>
      %add3A_644 = arith.addf %add3A_610, %select_n3A_641 : vector<16xf32>
      %select_n3A_645 = arith.select %ne3A_616, %broadcast_in_dim3A_124, %broadcast_in_dim3A_126 : vector<16xi1>, vector<16xf32>
      %add3A_646 = arith.addf %add3A_612, %select_n3A_645 : vector<16xf32>
      %gather3A_647 = tpu.vector_load_idx %arg5[%add3A_185, %gather3A_338] : memref<128x401xf32, #tpu.memory_space<vmem>>[vector<16xi32>, vector<16xi32>], vector<16xf32>,
      %ne3A_648 = arith.constant 0 : i32
      %ne3A_649 = vector.broadcast %ne3A_648 : i32 to vector<16xi32>
      %ne3A_650 = arith.cmpi ne, %gather3A_338, %ne3A_649 : vector<16xi32>
      %ne3A_651 = arith.cmpi ne, %gather3A_338, %gather3A : vector<16xi32>
      %and3A_652 = arith.andi %ne3A_650, %ne3A_651 : vector<16xi1>
      %ne3A_653 = arith.cmpi ne, %gather3A_338, %gather3A_206 : vector<16xi32>
      %and3A_654 = arith.andi %and3A_652, %ne3A_653 : vector<16xi1>
      %ne3A_655 = arith.cmpi ne, %gather3A_338, %gather3A_217 : vector<16xi32>
      %and3A_656 = arith.andi %and3A_654, %ne3A_655 : vector<16xi1>
      %ne3A_657 = arith.cmpi ne, %gather3A_338, %gather3A_228 : vector<16xi32>
      %and3A_658 = arith.andi %and3A_656, %ne3A_657 : vector<16xi1>
      %ne3A_659 = arith.cmpi ne, %gather3A_338, %gather3A_239 : vector<16xi32>
      %and3A_660 = arith.andi %and3A_658, %ne3A_659 : vector<16xi1>
      %ne3A_661 = arith.cmpi ne, %gather3A_338, %gather3A_250 : vector<16xi32>
      %and3A_662 = arith.andi %and3A_660, %ne3A_661 : vector<16xi1>
      %ne3A_663 = arith.cmpi ne, %gather3A_338, %gather3A_261 : vector<16xi32>
      %and3A_664 = arith.andi %and3A_662, %ne3A_663 : vector<16xi1>
      %ne3A_665 = arith.cmpi ne, %gather3A_338, %gather3A_272 : vector<16xi32>
      %and3A_666 = arith.andi %and3A_664, %ne3A_665 : vector<16xi1>
      %ne3A_667 = arith.cmpi ne, %gather3A_338, %gather3A_283 : vector<16xi32>
      %and3A_668 = arith.andi %and3A_666, %ne3A_667 : vector<16xi1>
      %ne3A_669 = arith.cmpi ne, %gather3A_338, %gather3A_294 : vector<16xi32>
      %and3A_670 = arith.andi %and3A_668, %ne3A_669 : vector<16xi1>
      %ne3A_671 = arith.cmpi ne, %gather3A_338, %gather3A_305 : vector<16xi32>
      %and3A_672 = arith.andi %and3A_670, %ne3A_671 : vector<16xi1>
      %ne3A_673 = arith.cmpi ne, %gather3A_338, %gather3A_316 : vector<16xi32>
      %and3A_674 = arith.andi %and3A_672, %ne3A_673 : vector<16xi1>
      %ne3A_675 = arith.cmpi ne, %gather3A_338, %gather3A_327 : vector<16xi32>
      %and3A_676 = arith.andi %and3A_674, %ne3A_675 : vector<16xi1>
      %select_n3A_677 = arith.select %and3A_676, %broadcast_in_dim3A_124, %broadcast_in_dim3A_126 : vector<16xi1>, vector<16xf32>
      %mul3A_678 = arith.mulf %select_n3A_677, %gather3A_647 : vector<16xf32>
      %add3A_679 = arith.addf %add3A_643, %mul3A_678 : vector<16xf32>
      %add3A_680 = arith.addf %add3A_644, %select_n3A_677 : vector<16xf32>
      %select_n3A_681 = arith.select %ne3A_650, %broadcast_in_dim3A_124, %broadcast_in_dim3A_126 : vector<16xi1>, vector<16xf32>
      %add3A_682 = arith.addf %add3A_646, %select_n3A_681 : vector<16xf32>
      %gather3A_683 = tpu.vector_load_idx %arg5[%add3A_185, %gather3A_349] : memref<128x401xf32, #tpu.memory_space<vmem>>[vector<16xi32>, vector<16xi32>], vector<16xf32>,
      %ne3A_684 = arith.constant 0 : i32
      %ne3A_685 = vector.broadcast %ne3A_684 : i32 to vector<16xi32>
      %ne3A_686 = arith.cmpi ne, %gather3A_349, %ne3A_685 : vector<16xi32>
      %ne3A_687 = arith.cmpi ne, %gather3A_349, %gather3A : vector<16xi32>
      %and3A_688 = arith.andi %ne3A_686, %ne3A_687 : vector<16xi1>
      %ne3A_689 = arith.cmpi ne, %gather3A_349, %gather3A_206 : vector<16xi32>
      %and3A_690 = arith.andi %and3A_688, %ne3A_689 : vector<16xi1>
      %ne3A_691 = arith.cmpi ne, %gather3A_349, %gather3A_217 : vector<16xi32>
      %and3A_692 = arith.andi %and3A_690, %ne3A_691 : vector<16xi1>
      %ne3A_693 = arith.cmpi ne, %gather3A_349, %gather3A_228 : vector<16xi32>
      %and3A_694 = arith.andi %and3A_692, %ne3A_693 : vector<16xi1>
      %ne3A_695 = arith.cmpi ne, %gather3A_349, %gather3A_239 : vector<16xi32>
      %and3A_696 = arith.andi %and3A_694, %ne3A_695 : vector<16xi1>
      %ne3A_697 = arith.cmpi ne, %gather3A_349, %gather3A_250 : vector<16xi32>
      %and3A_698 = arith.andi %and3A_696, %ne3A_697 : vector<16xi1>
      %ne3A_699 = arith.cmpi ne, %gather3A_349, %gather3A_261 : vector<16xi32>
      %and3A_700 = arith.andi %and3A_698, %ne3A_699 : vector<16xi1>
      %ne3A_701 = arith.cmpi ne, %gather3A_349, %gather3A_272 : vector<16xi32>
      %and3A_702 = arith.andi %and3A_700, %ne3A_701 : vector<16xi1>
      %ne3A_703 = arith.cmpi ne, %gather3A_349, %gather3A_283 : vector<16xi32>
      %and3A_704 = arith.andi %and3A_702, %ne3A_703 : vector<16xi1>
      %ne3A_705 = arith.cmpi ne, %gather3A_349, %gather3A_294 : vector<16xi32>
      %and3A_706 = arith.andi %and3A_704, %ne3A_705 : vector<16xi1>
      %ne3A_707 = arith.cmpi ne, %gather3A_349, %gather3A_305 : vector<16xi32>
      %and3A_708 = arith.andi %and3A_706, %ne3A_707 : vector<16xi1>
      %ne3A_709 = arith.cmpi ne, %gather3A_349, %gather3A_316 : vector<16xi32>
      %and3A_710 = arith.andi %and3A_708, %ne3A_709 : vector<16xi1>
      %ne3A_711 = arith.cmpi ne, %gather3A_349, %gather3A_327 : vector<16xi32>
      %and3A_712 = arith.andi %and3A_710, %ne3A_711 : vector<16xi1>
      %ne3A_713 = arith.cmpi ne, %gather3A_349, %gather3A_338 : vector<16xi32>
      %and3A_714 = arith.andi %and3A_712, %ne3A_713 : vector<16xi1>
      %select_n3A_715 = arith.select %and3A_714, %broadcast_in_dim3A_124, %broadcast_in_dim3A_126 : vector<16xi1>, vector<16xf32>
      %mul3A_716 = arith.mulf %select_n3A_715, %gather3A_683 : vector<16xf32>
      %add3A_717 = arith.addf %add3A_679, %mul3A_716 : vector<16xf32>
      %add3A_718 = arith.addf %add3A_680, %select_n3A_715 : vector<16xf32>
      %select_n3A_719 = arith.select %ne3A_686, %broadcast_in_dim3A_124, %broadcast_in_dim3A_126 : vector<16xi1>, vector<16xf32>
      %add3A_720 = arith.addf %add3A_682, %select_n3A_719 : vector<16xf32>
      %gather3A_721 = tpu.vector_load_idx %arg5[%add3A_185, %gather3A_360] : memref<128x401xf32, #tpu.memory_space<vmem>>[vector<16xi32>, vector<16xi32>], vector<16xf32>,
      %ne3A_722 = arith.constant 0 : i32
      %ne3A_723 = vector.broadcast %ne3A_722 : i32 to vector<16xi32>
      %ne3A_724 = arith.cmpi ne, %gather3A_360, %ne3A_723 : vector<16xi32>
      %ne3A_725 = arith.cmpi ne, %gather3A_360, %gather3A : vector<16xi32>
      %and3A_726 = arith.andi %ne3A_724, %ne3A_725 : vector<16xi1>
      %ne3A_727 = arith.cmpi ne, %gather3A_360, %gather3A_206 : vector<16xi32>
      %and3A_728 = arith.andi %and3A_726, %ne3A_727 : vector<16xi1>
      %ne3A_729 = arith.cmpi ne, %gather3A_360, %gather3A_217 : vector<16xi32>
      %and3A_730 = arith.andi %and3A_728, %ne3A_729 : vector<16xi1>
      %ne3A_731 = arith.cmpi ne, %gather3A_360, %gather3A_228 : vector<16xi32>
      %and3A_732 = arith.andi %and3A_730, %ne3A_731 : vector<16xi1>
      %ne3A_733 = arith.cmpi ne, %gather3A_360, %gather3A_239 : vector<16xi32>
      %and3A_734 = arith.andi %and3A_732, %ne3A_733 : vector<16xi1>
      %ne3A_735 = arith.cmpi ne, %gather3A_360, %gather3A_250 : vector<16xi32>
      %and3A_736 = arith.andi %and3A_734, %ne3A_735 : vector<16xi1>
      %ne3A_737 = arith.cmpi ne, %gather3A_360, %gather3A_261 : vector<16xi32>
      %and3A_738 = arith.andi %and3A_736, %ne3A_737 : vector<16xi1>
      %ne3A_739 = arith.cmpi ne, %gather3A_360, %gather3A_272 : vector<16xi32>
      %and3A_740 = arith.andi %and3A_738, %ne3A_739 : vector<16xi1>
      %ne3A_741 = arith.cmpi ne, %gather3A_360, %gather3A_283 : vector<16xi32>
      %and3A_742 = arith.andi %and3A_740, %ne3A_741 : vector<16xi1>
      %ne3A_743 = arith.cmpi ne, %gather3A_360, %gather3A_294 : vector<16xi32>
      %and3A_744 = arith.andi %and3A_742, %ne3A_743 : vector<16xi1>
      %ne3A_745 = arith.cmpi ne, %gather3A_360, %gather3A_305 : vector<16xi32>
      %and3A_746 = arith.andi %and3A_744, %ne3A_745 : vector<16xi1>
      %ne3A_747 = arith.cmpi ne, %gather3A_360, %gather3A_316 : vector<16xi32>
      %and3A_748 = arith.andi %and3A_746, %ne3A_747 : vector<16xi1>
      %ne3A_749 = arith.cmpi ne, %gather3A_360, %gather3A_327 : vector<16xi32>
      %and3A_750 = arith.andi %and3A_748, %ne3A_749 : vector<16xi1>
      %ne3A_751 = arith.cmpi ne, %gather3A_360, %gather3A_338 : vector<16xi32>
      %and3A_752 = arith.andi %and3A_750, %ne3A_751 : vector<16xi1>
      %ne3A_753 = arith.cmpi ne, %gather3A_360, %gather3A_349 : vector<16xi32>
      %and3A_754 = arith.andi %and3A_752, %ne3A_753 : vector<16xi1>
      %select_n3A_755 = arith.select %and3A_754, %broadcast_in_dim3A_124, %broadcast_in_dim3A_126 : vector<16xi1>, vector<16xf32>
      %mul3A_756 = arith.mulf %select_n3A_755, %gather3A_721 : vector<16xf32>
      %add3A_757 = arith.addf %add3A_717, %mul3A_756 : vector<16xf32>
      %add3A_758 = arith.addf %add3A_718, %select_n3A_755 : vector<16xf32>
      %select_n3A_759 = arith.select %ne3A_724, %broadcast_in_dim3A_124, %broadcast_in_dim3A_126 : vector<16xi1>, vector<16xf32>
      %add3A_760 = arith.addf %add3A_720, %select_n3A_759 : vector<16xf32>
      %max3A = arith.maximumf %add3A_760, %broadcast_in_dim3A_124 : vector<16xf32>
      %div3A_761 = arith.constant 1.000000e+00 : f32
      %div3A_762 = vector.broadcast %div3A_761 : f32 to vector<16xf32>
      %div3A_763 = arith.divf %div3A_762, %max3A : vector<16xf32>
      %mul3A_764 = arith.mulf %add3A_758, %div3A_763 : vector<16xf32>
      %mul3A_765 = arith.constant 16 : i32
      %mul3A_766 = arith.muli %scan3A_167, %mul3A_765 : i32
      %swap3A = arith.index_cast %mul3A_766 : i32 to index
      %swap3A_767 = tpu.vector_load %arg7[%swap3A] {strides = array<i32>} : memref<256xf32, #tpu.memory_space<vmem>>, vector<16xf32>,
      tpu.vector_store %arg7[%swap3A], %mul3A_764 {strides = array<i32>} : memref<256xf32, #tpu.memory_space<vmem>>, vector<16xf32>,
      %mul3A_768 = arith.mulf %add3A_757, %div3A_763 : vector<16xf32>
      %mul3A_769 = arith.constant 16 : i32
      %mul3A_770 = arith.muli %scan3A_167, %mul3A_769 : i32
      %add3A_771 = arith.constant 128 : i32
      %add3A_772 = arith.addi %add3A_771, %mul3A_770 : i32
      %swap3A_773 = arith.index_cast %add3A_772 : i32 to index
      %swap3A_774 = tpu.vector_load %arg7[%swap3A_773] {strides = array<i32>} : memref<256xf32, #tpu.memory_space<vmem>>, vector<16xf32>,
      tpu.vector_store %arg7[%swap3A_773], %mul3A_768 {strides = array<i32>} : memref<256xf32, #tpu.memory_space<vmem>>, vector<16xf32>,
    }
    %scan3A_130 = arith.constant 8 : i32
    %jit3A = arith.constant 4 : i32
    %div3A = arith.divsi %add3A, %jit3A : i32
    %sign3A = arith.constant 0 : i32
    %sign3A_131 = arith.cmpi sgt, %add3A, %sign3A : i32
    %sign3A_132 = arith.extui %sign3A_131 : i1 to i32
    %sign3A_133 = arith.constant 0 : i32
    %sign3A_134 = arith.cmpi slt, %add3A, %sign3A_133 : i32
    %sign3A_135 = arith.extui %sign3A_134 : i1 to i32
    %sign3A_136 = arith.subi %sign3A_132, %sign3A_135 : i32
    %sign3A_137 = arith.constant 0 : i32
    %sign3A_138 = arith.cmpi sgt, %jit3A, %sign3A_137 : i32
    %sign3A_139 = arith.extui %sign3A_138 : i1 to i32
    %sign3A_140 = arith.constant 0 : i32
    %sign3A_141 = arith.cmpi slt, %jit3A, %sign3A_140 : i32
    %sign3A_142 = arith.extui %sign3A_141 : i1 to i32
    %sign3A_143 = arith.subi %sign3A_139, %sign3A_142 : i32
    %ne3A = arith.cmpi ne, %sign3A_136, %sign3A_143 : i32
    %rem3A = arith.remsi %add3A, %jit3A : i32
    %ne3A_144 = arith.constant 0 : i32
    %ne3A_145 = arith.cmpi ne, %rem3A, %ne3A_144 : i32
    %and3A = arith.andi %ne3A, %ne3A_145 : i1
    %sub3A = arith.constant 1 : i32
    %sub3A_146 = arith.subi %div3A, %sub3A : i32
    %select_n3A = arith.select %and3A, %sub3A_146, %div3A : i32
    %jit3A_147 = arith.constant 4 : i32
    %eq3A = arith.constant 0 : i32
    %eq3A_148 = arith.cmpi eq, %jit3A_147, %eq3A : i32
    %jit3A_149 = arith.constant 1 : i32
    %select_n3A_150 = arith.select %eq3A_148, %jit3A_149, %jit3A_147 : i32
    %rem3A_151 = arith.remsi %add3A, %select_n3A_150 : i32
    %ne3A_152 = arith.constant 0 : i32
    %ne3A_153 = arith.cmpi ne, %rem3A_151, %ne3A_152 : i32
    %lt3A = arith.constant 0 : i32
    %lt3A_154 = arith.cmpi slt, %rem3A_151, %lt3A : i32
    %lt3A_155 = arith.constant 0 : i32
    %lt3A_156 = arith.cmpi slt, %select_n3A_150, %lt3A_155 : i32
    %ne3A_157 = arith.xori %lt3A_154, %lt3A_156 : i1
    %and3A_158 = arith.andi %ne3A_157, %ne3A_153 : i1
    %add3A_159 = arith.addi %rem3A_151, %select_n3A_150 : i32
    %select_n3A_160 = arith.select %and3A_158, %add3A_159, %rem3A_151 : i32
    %mul3A_161 = arith.constant 128 : i32
    %mul3A_162 = arith.muli %select_n3A_160, %mul3A_161 : i32
    %multiple_of3A_163 = tpu.assume_multiple %mul3A_162, 128 : i32
    %run_scoped3A = arith.constant 0 : i32
    "tpu.region"() ({
      %run_scoped3A_167 = tpu.sem_alloc : memref<!tpu.dma_semaphore, #tpu.memory_space<semaphore_mem>>
      %dma_start3A_168 = arith.constant 0 : i32
      %dma_start3A_169 = tpu.memref_slice %arg7[%dma_start3A_168] : memref<256xf32, #tpu.memory_space<vmem>> -> memref<128xf32, #tpu.memory_space<vmem>>
      %dma_start3A_170 = tpu.memref_slice %arg4[%select_n3A, %run_scoped3A, %multiple_of3A_163] : memref<8x1x1024xf32, #tpu.memory_space<hbm>> -> memref<1x1x128xf32, #tpu.memory_space<hbm>>
      %dma_start3A_171 = tpu.memref_squeeze %dma_start3A_170 : memref<1x1x128xf32, #tpu.memory_space<hbm>> -> memref<128xf32, #tpu.memory_space<hbm>>
      %dma_start3A_172 = tpu.memref_slice %arg4[%select_n3A, %run_scoped3A, %multiple_of3A_163] : memref<8x1x1024xf32, #tpu.memory_space<hbm>> -> memref<1x1x128xf32, #tpu.memory_space<hbm>>
      %dma_start3A_173 = tpu.memref_squeeze %dma_start3A_172 : memref<1x1x128xf32, #tpu.memory_space<hbm>> -> memref<128xf32, #tpu.memory_space<hbm>>
      %dma_start3A_174 = arith.constant 0 : i32
      %dma_start3A_175 = tpu.memref_slice %arg7[%dma_start3A_174] : memref<256xf32, #tpu.memory_space<vmem>> -> memref<128xf32, #tpu.memory_space<vmem>>
      tpu.enqueue_dma source(%dma_start3A_175 : memref<128xf32, #tpu.memory_space<vmem>>) target(%dma_start3A_173 : memref<128xf32, #tpu.memory_space<hbm>>) target_semaphore(%run_scoped3A_167 : memref<!tpu.dma_semaphore, #tpu.memory_space<semaphore_mem>>)
      %dma_wait3A = arith.constant 0 : i32
      %dma_wait3A_176 = tpu.memref_slice %arg7[%dma_wait3A] : memref<256xf32, #tpu.memory_space<vmem>> -> memref<128xf32, #tpu.memory_space<vmem>>
      %dma_wait3A_177 = tpu.memref_slice %arg4[%select_n3A, %run_scoped3A, %multiple_of3A_163] : memref<8x1x1024xf32, #tpu.memory_space<hbm>> -> memref<1x1x128xf32, #tpu.memory_space<hbm>>
      %dma_wait3A_178 = tpu.memref_squeeze %dma_wait3A_177 : memref<1x1x128xf32, #tpu.memory_space<hbm>> -> memref<128xf32, #tpu.memory_space<hbm>>
      %dma_wait3A_179 = tpu.memref_slice %arg4[%select_n3A, %run_scoped3A, %multiple_of3A_163] : memref<8x1x1024xf32, #tpu.memory_space<hbm>> -> memref<1x1x128xf32, #tpu.memory_space<hbm>>
      %dma_wait3A_180 = tpu.memref_squeeze %dma_wait3A_179 : memref<1x1x128xf32, #tpu.memory_space<hbm>> -> memref<128xf32, #tpu.memory_space<hbm>>
      %dma_wait3A_181 = arith.constant 0 : i32
      %dma_wait3A_182 = tpu.memref_slice %arg7[%dma_wait3A_181] : memref<256xf32, #tpu.memory_space<vmem>> -> memref<128xf32, #tpu.memory_space<vmem>>
      tpu.wait_dma2 semaphore(%run_scoped3A_167 : memref<!tpu.dma_semaphore, #tpu.memory_space<semaphore_mem>>) src(%dma_wait3A_182 : memref<128xf32, #tpu.memory_space<vmem>>) dst(%dma_wait3A_180 : memref<128xf32, #tpu.memory_space<hbm>>)
      tpu.yield
    }) : () -> ()
    %add3A_164 = arith.constant 512 : i32
    %add3A_165 = arith.addi %add3A_164, %multiple_of3A_163 : i32
    %run_scoped3A_166 = arith.constant 0 : i32
    "tpu.region"() ({
      %run_scoped3A_167 = tpu.sem_alloc : memref<!tpu.dma_semaphore, #tpu.memory_space<semaphore_mem>>
      %dma_start3A_168 = arith.constant 128 : i32
      %dma_start3A_169 = tpu.memref_slice %arg7[%dma_start3A_168] : memref<256xf32, #tpu.memory_space<vmem>> -> memref<128xf32, #tpu.memory_space<vmem>>
      %dma_start3A_170 = tpu.memref_slice %arg4[%select_n3A, %run_scoped3A_166, %add3A_165] : memref<8x1x1024xf32, #tpu.memory_space<hbm>> -> memref<1x1x128xf32, #tpu.memory_space<hbm>>
      %dma_start3A_171 = tpu.memref_squeeze %dma_start3A_170 : memref<1x1x128xf32, #tpu.memory_space<hbm>> -> memref<128xf32, #tpu.memory_space<hbm>>
      %dma_start3A_172 = tpu.memref_slice %arg4[%select_n3A, %run_scoped3A_166, %add3A_165] : memref<8x1x1024xf32, #tpu.memory_space<hbm>> -> memref<1x1x128xf32, #tpu.memory_space<hbm>>
      %dma_start3A_173 = tpu.memref_squeeze %dma_start3A_172 : memref<1x1x128xf32, #tpu.memory_space<hbm>> -> memref<128xf32, #tpu.memory_space<hbm>>
      %dma_start3A_174 = arith.constant 128 : i32
      %dma_start3A_175 = tpu.memref_slice %arg7[%dma_start3A_174] : memref<256xf32, #tpu.memory_space<vmem>> -> memref<128xf32, #tpu.memory_space<vmem>>
      tpu.enqueue_dma source(%dma_start3A_175 : memref<128xf32, #tpu.memory_space<vmem>>) target(%dma_start3A_173 : memref<128xf32, #tpu.memory_space<hbm>>) target_semaphore(%run_scoped3A_167 : memref<!tpu.dma_semaphore, #tpu.memory_space<semaphore_mem>>)
      %dma_wait3A = arith.constant 128 : i32
      %dma_wait3A_176 = tpu.memref_slice %arg7[%dma_wait3A] : memref<256xf32, #tpu.memory_space<vmem>> -> memref<128xf32, #tpu.memory_space<vmem>>
      %dma_wait3A_177 = tpu.memref_slice %arg4[%select_n3A, %run_scoped3A_166, %add3A_165] : memref<8x1x1024xf32, #tpu.memory_space<hbm>> -> memref<1x1x128xf32, #tpu.memory_space<hbm>>
      %dma_wait3A_178 = tpu.memref_squeeze %dma_wait3A_177 : memref<1x1x128xf32, #tpu.memory_space<hbm>> -> memref<128xf32, #tpu.memory_space<hbm>>
      %dma_wait3A_179 = tpu.memref_slice %arg4[%select_n3A, %run_scoped3A_166, %add3A_165] : memref<8x1x1024xf32, #tpu.memory_space<hbm>> -> memref<1x1x128xf32, #tpu.memory_space<hbm>>
      %dma_wait3A_180 = tpu.memref_squeeze %dma_wait3A_179 : memref<1x1x128xf32, #tpu.memory_space<hbm>> -> memref<128xf32, #tpu.memory_space<hbm>>
      %dma_wait3A_181 = arith.constant 128 : i32
      %dma_wait3A_182 = tpu.memref_slice %arg7[%dma_wait3A_181] : memref<256xf32, #tpu.memory_space<vmem>> -> memref<128xf32, #tpu.memory_space<vmem>>
      tpu.wait_dma2 semaphore(%run_scoped3A_167 : memref<!tpu.dma_semaphore, #tpu.memory_space<semaphore_mem>>) src(%dma_wait3A_182 : memref<128xf32, #tpu.memory_space<vmem>>) dst(%dma_wait3A_180 : memref<128xf32, #tpu.memory_space<hbm>>)
      tpu.yield
    }) : () -> ()
    return
  }
}

module attributes {stable_mosaic.version = 14 : i64} {
  func.func @_tc_body(%arg0: i32, %arg1: memref<512x401xf32, #tpu.memory_space<vmem>>, %arg2: memref<1x1x1024xf32, #tpu.memory_space<vmem>>, %arg3: memref<1x1xf32, #tpu.memory_space<vmem>>) attributes {dimension_semantics = [#tpu.dimension_semantics<arbitrary>], iteration_bounds = array<i64: 8>, scalar_prefetch = 0 : i64, scratch_operands = 0 : i64, tpu.core_type = #tpu.core_type<tc>, window_params = [{transform_indices = @transform_0, window_bounds = array<i64: 512, 401>}, {transform_indices = @transform_1, window_bounds = array<i64: 1, 1, 1024>}, {pipeline_mode = #tpu.pipeline_mode<synchronous>, transform_indices = @transform_2, window_bounds = array<i64: 1, 1>}]} {
    %eq3A = arith.constant 0 : i32
    %eq3A_0 = arith.cmpi eq, %arg0, %eq3A : i32
    %convert_element_type3A = arith.extui %eq3A_0 : i1 to i32
    %cond3A = arith.constant 0 : i32
    %cond3A_1 = arith.cmpi ne, %convert_element_type3A, %cond3A : i32
    scf.if %cond3A_1 {
      %broadcast_in_dim3A_34 = arith.constant 0.000000e+00 : f32
      %broadcast_in_dim3A_35 = vector.broadcast %broadcast_in_dim3A_34 : f32 to vector<1x1xf32>
      %swap3A_36 = arith.constant 0 : index
      %swap3A_37 = arith.constant 0 : index
      %swap3A_38 = vector.load %arg3[%swap3A_36, %swap3A_37] : memref<1x1xf32, #tpu.memory_space<vmem>>, vector<1x1xf32>
      tpu.vector_store %arg3[%swap3A_36, %swap3A_37], %broadcast_in_dim3A_35 {strides = array<i32>} : memref<1x1xf32, #tpu.memory_space<vmem>>, vector<1x1xf32>,
    } else {
    }
    %get3A = arith.constant 0 : index
    %get3A_2 = arith.constant 0 : index
    %get3A_3 = vector.load %arg1[%get3A, %get3A_2] : memref<512x401xf32, #tpu.memory_space<vmem>>, vector<512x401xf32>
    %reduce_max3A = arith.constant dense<0xFF800000> : vector<512xf32>
    %reduce_max3A_4 = vector.multi_reduction <maximumf>, %get3A_3, %reduce_max3A [1] : vector<512x401xf32> to vector<512xf32>
    %broadcast_in_dim3A = vector.shape_cast %reduce_max3A_4 : vector<512xf32> to vector<512x1xf32>
    %sub3A = vector.broadcast %broadcast_in_dim3A : vector<512x1xf32> to vector<512x401xf32>
    %sub3A_5 = arith.subf %get3A_3, %sub3A : vector<512x401xf32>
    %exp3A = math.exp %sub3A_5 : vector<512x401xf32>
    %reduce_sum3A = arith.constant dense<0.000000e+00> : vector<512xf32>
    %reduce_sum3A_6 = vector.multi_reduction <add>, %exp3A, %reduce_sum3A [1] : vector<512x401xf32> to vector<512xf32>
    %broadcast_in_dim3A_7 = vector.shape_cast %reduce_sum3A_6 : vector<512xf32> to vector<512x1xf32>
    %log3A = math.log %broadcast_in_dim3A_7 : vector<512x1xf32>
    %add3A = arith.addf %broadcast_in_dim3A, %log3A : vector<512x1xf32>
    %get3A_8 = arith.constant 0 : index
    %get3A_9 = arith.constant 0 : index
    %get3A_10 = arith.constant 0 : index
    %get3A_11 = vector.load %arg2[%get3A_8, %get3A_9, %get3A_10] : memref<1x1x1024xf32, #tpu.memory_space<vmem>>, vector<1x1x512xf32>
    %get3A_12 = vector.shape_cast %get3A_11 : vector<1x1x512xf32> to vector<1x512xf32>
    %get3A_13 = arith.constant 0 : index
    %get3A_14 = arith.constant 0 : index
    %get3A_15 = arith.constant 512 : index
    %get3A_16 = vector.load %arg2[%get3A_13, %get3A_14, %get3A_15] : memref<1x1x1024xf32, #tpu.memory_space<vmem>>, vector<1x1x512xf32>
    %get3A_17 = vector.shape_cast %get3A_16 : vector<1x1x512xf32> to vector<1x512xf32>
    %dot_general3A = arith.constant dense<0.000000e+00> : vector<1x1xf32>
    %dot_general3A_18 = tpu.matmul %get3A_12, %add3A, %dot_general3A {dimension_numbers = #tpu.dot_dimension_numbers<[1], [0], [0], [1], [0, 0, 1, 1], [], []>, transpose_lhs_hint = false} : vector<1x512xf32>, vector<512x1xf32>, vector<1x1xf32> -> vector<1x1xf32>
    %reduce_sum3A_19 = vector.shape_cast %get3A_17 : vector<1x512xf32> to vector<1x1x512xf32>
    %reduce_sum3A_20 = arith.constant dense<0.000000e+00> : vector<1xf32>
    %reduce_sum3A_21 = vector.multi_reduction <add>, %reduce_sum3A_19, %reduce_sum3A_20 [1, 2] : vector<1x1x512xf32> to vector<1xf32>
    %reduce_sum3A_22 = vector.shape_cast %reduce_sum3A_21 : vector<1xf32> to vector<1x1x1xf32>
    %reduce_sum3A_23 = vector.extract %reduce_sum3A_22[0, 0, 0] : f32 from vector<1x1x1xf32>
    %broadcast_in_dim3A_24 = vector.broadcast %reduce_sum3A_23 : f32 to vector<1x1xf32>
    %get3A_25 = arith.constant 0 : index
    %get3A_26 = arith.constant 0 : index
    %get3A_27 = vector.load %arg3[%get3A_25, %get3A_26] : memref<1x1xf32, #tpu.memory_space<vmem>>, vector<1x1xf32>
    %sub3A_28 = arith.subf %dot_general3A_18, %broadcast_in_dim3A_24 : vector<1x1xf32>
    %mul3A = arith.constant 2.44140625E-4 : f32
    %mul3A_29 = vector.broadcast %mul3A : f32 to vector<1x1xf32>
    %mul3A_30 = arith.mulf %sub3A_28, %mul3A_29 : vector<1x1xf32>
    %add3A_31 = arith.addf %get3A_27, %mul3A_30 : vector<1x1xf32>
    %swap3A = arith.constant 0 : index
    %swap3A_32 = arith.constant 0 : index
    %swap3A_33 = vector.load %arg3[%swap3A, %swap3A_32] : memref<1x1xf32, #tpu.memory_space<vmem>>, vector<1x1xf32>
    tpu.vector_store %arg3[%swap3A, %swap3A_32], %add3A_31 {strides = array<i32>} : memref<1x1xf32, #tpu.memory_space<vmem>>, vector<1x1xf32>,
    return
  }
  func.func @transform_0(%arg0: i32) -> (i32, i32) {
    %c0_i32 = arith.constant 0 : i32
    %c0_i32_0 = arith.constant 0 : i32
    return %arg0, %c0_i32 : i32, i32
  }
  func.func @transform_1(%arg0: i32) -> (i32, i32, i32) {
    %c0_i32 = arith.constant 0 : i32
    %c0_i32_0 = arith.constant 0 : i32
    %c0_i32_1 = arith.constant 0 : i32
    return %arg0, %c0_i32, %c0_i32_0 : i32, i32, i32
  }
  func.func @transform_2(%arg0: i32) -> (i32, i32) {
    %c0_i32 = arith.constant 0 : i32
    %c0_i32_0 = arith.constant 0 : i32
    %c0_i32_1 = arith.constant 0 : i32
    return %c0_i32, %c0_i32_0 : i32, i32
  }
}

</mosaic_0001>

<sc_bundles>
// kernel: kernel.4.cloned.1.call-start
scs
__scs_entry_jumppad:
0x0: {  	(pc) =	sbr.rel $0x88, $3  }
0x1: {  	(tag) =	ssettag $0x0;
	lr =	simm.s32 $0x1  }
0x2: {  	[smem:$0x3F9F] =	sst lr;
	_ =	strace $0xD0000000  }
0x3: {  	_ = 	snop  }
0x4: {  	_ = 	snop  }
0x5: {  	_ = 	snop  }
0x6: {  	_ = 	snop  }
0x7: {  	_ = 	snop  }
__scs_overlays_trampoline_lowered:
0x8: {  	[smem:$0x3FAE] =	sst s0  }
0x9: {  	[smem:$0x3FAF] =	sst s1  }
0xa: {  	[smem:$0x3FB0] =	sst s2  }
0xb: {  	[smem:$0x3FB1] =	sst s3  }
0xc: {  	[smem:$0x3FB2] =	sst s4  }
0xd: {  	[smem:$0x3FB3] =	sst s5  }
0xe: {  	[smem:$0x3FB4] =	sst s6  }
0xf: {  	[smem:$0x3FB5] =	sst s7  }
0x10: {  	[smem:$0x3FB6] =	sst s8  }
0x11: {  	[smem:$0x3FB7] =	sst s9;
	s0 =	simm.s32 @!p0 $0x0  }
0x12: {  	s1 =	sld [smem:$0x3F9D];
	s0 =	simm.s32 @p0 $0x1  }
0x13: {  	[smem:$0x3FB8] =	sst s0;
	s0 =	simm.s32 @!p1 $0x0  }
0x14: {  	s2 =	sld [smem:$0x3F9C];
	s0 =	simm.s32 @p1 $0x1  }
0x15: {  	[smem:$0x3FB9] =	sst s0;
	s0 =	simm.s32 @!p2 $0x0  }
0x16: {  	s3 =	sld [smem:$0x3FDB];
	s0 =	simm.s32 @p2 $0x1  }
0x17: {  	s4 =	simm.s32 $0x1BF5;
	[smem:$0x3FBB] =	sst s0  }
0x18: {  	s0 =	sld [smem:$0x3F9E];
	_ =	swait.ge [sflag:s4], $0x0  }
0x19: {  	s7 =	sld [smem:$0x3F9F]  }
0x1a: {  	s8 =	sadd.s32 $0xFFFFE003, lr  }
0x1b: {  	s9 =	sadd.s32 $0xFFFFFEF7, lr;
	s5 =	simm.s32 $0xFFFFFFFF;
	p2 =	slt.u32 s8, $0xFFFFF086  }
0x1c: {  	p1 =	slt.u32 s9, $0xF7A;
	s5 =	simm.s32 @!p2 $0x0  }
0x1d: {  	s5 =	simm.s32 @p1 $0x1;
	p0 =	seq.s32 s7, s2  }
0x1e: {  	s7 =	smul.u32 @!p0 $0xF7A, s2;
	p2 =	seq.s32 @!p0 s5, $0x0  }
0x1f: {  	s9 =	smul.u32 $0xF7A, s1;
	s8 =	simm.s32 @!p0 $0x1BF5;
	p2 =	por !p2, p0  }
0x20: {  	[sflag:s8] =	ssyncset.s32 @!p0 $0xFFFFF086;
	s6 =	sadd.s32 @!p0 s3, s7;
	s7 =	simm.s32 @!p0 $0x108  }
0x21: {  	s3 =	sadd.s32 s3, s9;
	s6 =	sadd.s32 @!p0 $0x88, s6;
	s7 =	simm.s32 @p2 $0x1082  }
0x22: {  	[simem:s7], [sflag:s8] =	dma.local @!p0 [hbm:s6], $0xF7A  }
0x23: {  	s9 =	sor.u32 $0xD0000000, s2;
	s6 =	simm.s32 $0x108;
	_ =	swait.ge @!p0 [sflag:s8], $0x0  }
0x24: {  	s3 =	sadd.s32 $0x88, s3;
	s6 =	simm.s32 @!p1 $0x1082;
	[sflag:s4] =	ssyncset.s32 $0xFFFFF086  }
0x25: {  	[simem:s6], [sflag:s4] =	dma.local [hbm:s3], $0xF7A  }
0x26: {  	[smem:$0x3F9F] =	sst s1;
	(tag) =	ssettag s2;
	_ =	strace s9  }
0x27: {  	s1 =	sld [smem:$0x3FAF]  }
0x28: {  	s2 =	sld [smem:$0x3FB0]  }
0x29: {  	s4 =	sld [smem:$0x3FB2]  }
0x2a: {  	p0 =	seq.s32 s5, $0x0;
	s5 =	sld [smem:$0x3FB3]  }
0x2b: {  	s6 =	sld [smem:$0x3FB4]  }
0x2c: {  	s7 =	sld [smem:$0x3FB5]  }
0x2d: {  	s3 =	simm.s32 $0x108;
	s8 =	sld [smem:$0x3FB6]  }
0x2e: {  	s3 =	simm.s32 @!p0 $0x1082;
	s9 =	sld [smem:$0x3FB7]  }
0x2f: {  	lr =	sadd.s32 s0, s3;
	s0 =	sld [smem:$0x3FAE]  }
0x30: {  	s3 =	sld [smem:$0x3FB1]  }
0x31: {  	[smem:$0x3FBA] =	sst s10  }
0x32: {  	s10 =	sld [smem:$0x3FB8];
	_ =	sdelay $0x3  }
0x33: {  	p0 =	seq.s32 s10, $0x1;
	s10 =	sld [smem:$0x3FBA];
	_ =	sdelay $0x3  }
0x34: {  	[smem:$0x3FBA] =	sst s10  }
0x35: {  	s10 =	sld [smem:$0x3FB9];
	_ =	sdelay $0x3  }
0x36: {  	p1 =	seq.s32 s10, $0x1;
	s10 =	sld [smem:$0x3FBA];
	_ =	sdelay $0x3  }
0x37: {  	[smem:$0x3FBA] =	sst s10  }
0x38: {  	s10 =	sld [smem:$0x3FBB]  }
0x39: {  	_ = 	snop;
	(pc) =	sbr.ind lr, $3  }
0x3a: {  	_ = 	snop  }
0x3b: {  	_ = 	snop  }
0x3c: {  	p2 =	seq.s32 s10, $0x1;
	s10 =	sld [smem:$0x3FBA]  }
0x3d: {  	_ =	shalt  }
0x3e: {  	_ =	shalt  }
0x3f: {  	_ =	shalt  }
0x40: {  	_ =	shalt  }
0x41: {  	_ =	shalt  }
0x42: {  	_ =	shalt  }
0x43: {  	_ =	shalt  }
0x44: {  	_ =	shalt  }
0x45: {  	_ =	shalt  }
0x46: {  	_ =	shalt  }
0x47: {  	_ =	shalt  }
0x48: {  	_ =	shalt  }
0x49: {  	_ =	shalt  }
0x4a: {  	_ =	shalt  }
0x4b: {  	_ =	shalt  }
0x4c: {  	_ =	shalt  }
0x4d: {  	_ =	shalt  }
0x4e: {  	_ =	shalt  }
0x4f: {  	_ =	shalt  }
0x50: {  	_ =	shalt  }
0x51: {  	_ =	shalt  }
0x52: {  	_ =	shalt  }
0x53: {  	_ =	shalt  }
0x54: {  	_ =	shalt  }
0x55: {  	_ =	shalt  }
0x56: {  	_ =	shalt  }
0x57: {  	_ =	shalt  }
0x58: {  	_ =	shalt  }
0x59: {  	_ =	shalt  }
0x5a: {  	_ =	shalt  }
0x5b: {  	_ =	shalt  }
0x5c: {  	_ =	shalt  }
0x5d: {  	_ =	shalt  }
0x5e: {  	_ =	shalt  }
0x5f: {  	_ =	shalt  }
0x60: {  	_ =	shalt  }
0x61: {  	_ =	shalt  }
0x62: {  	_ =	shalt  }
0x63: {  	_ =	shalt  }
0x64: {  	_ =	shalt  }
0x65: {  	_ =	shalt  }
0x66: {  	_ =	shalt  }
0x67: {  	_ =	shalt  }
0x68: {  	_ =	shalt  }
0x69: {  	_ =	shalt  }
0x6a: {  	_ =	shalt  }
0x6b: {  	_ =	shalt  }
0x6c: {  	_ =	shalt  }
0x6d: {  	_ =	shalt  }
0x6e: {  	_ =	shalt  }
0x6f: {  	_ =	shalt  }
0x70: {  	_ =	shalt  }
0x71: {  	_ =	shalt  }
0x72: {  	_ =	shalt  }
0x73: {  	_ =	shalt  }
0x74: {  	_ =	shalt  }
0x75: {  	_ =	shalt  }
0x76: {  	_ =	shalt  }
0x77: {  	_ =	shalt  }
0x78: {  	_ =	shalt  }
0x79: {  	_ =	shalt  }
0x7a: {  	_ =	shalt  }
0x7b: {  	_ =	shalt  }
0x7c: {  	_ =	shalt  }
0x7d: {  	_ =	shalt  }
0x7e: {  	_ =	shalt  }
0x7f: {  	_ =	shalt  }
0x80: {  	_ =	shalt  }
0x81: {  	_ =	shalt  }
0x82: {  	_ =	shalt  }
0x83: {  	_ =	shalt  }
0x84: {  	_ =	shalt  }
0x85: {  	_ =	shalt  }
0x86: {  	_ =	shalt  }
0x87: {  	_ =	shalt  }
.Lfunc_end0:
.L_simem_size_0:
called_computation_lowered:
.L_overlay_start_0:
0x88: {  	s2 =	sld [smem:$0x3FD9]  }
0x89: {  	s3 =	sld [smem:$0x3FFE];
	_ =	sdelay $0x1  }
0x8a: {  	s1 =	srdreg.scid  }
0x8b: {  	s0 =	sand.u32 $0x1, s1  }
0x8c: {  	s16 =	sshll.u32 s0, $0xA;
	s2 =	sadd.s32 s3, s2  }
0x8d: {  	s2 =	sadd.s32 s2, s16  }
0x8e: {  	[smem:$0x3FC6] =	sst s2  }
0x8f: {  	_ = 	snop  }
0x90: {  	(tm) =	ssettm $0x1  }
0x91: {  	s17 =	sld [smem:$0x3FFB];
	_ =	sdelay $0x3  }
0x92: {  	_ =	strace s17  }
0x93: {  	s2 =	sld [smem:$0x3FFC];
	_ =	sdelay $0x3  }
0x94: {  	_ =	strace s2  }
0x95: {  	s2 =	sld [smem:$0x3FFD];
	_ =	sdelay $0x3  }
0x96: {  	_ =	strace s2  }
0x97: {  	_ =	strace $0x8FFFFFFF  }
0x98: {  	s18 =	sld [smem:$0x3FDB];
	_ =	sdelay $0x1  }
0x99: {  	s19 =	simm.s32 $_scs_section_size  }
0x9a: {  	s4 =	simm.s32 $_size__tile_overlayer_lowered;
	s5 =	simm.s32 $_tile_overlayer_lowered  }
0x9b: {  	s22 =	simm.s32 $0x1BFF;
	s21 =	sshll.u32 s5, $0x1;
	s2 =	sadd.s32 s19, s18  }
0x9c: {  	s6 =	simm.s32 $0x0;
	s20 =	sshll.u32 s4, $0x1;
	s4 =	sadd.s32 s21, s2  }
0x9d: {  	[timem:s6], [sflag:s22] =	dma.local [hbm:s4], s20  }
0x9e: {  	_ =	swait.ge [sflag:s22], s20  }
0x9f: {  	s3 =	ssub.s32 $0x0, s20;
	[sflag:s22] =	ssyncset.done $0x0  }
0xa0: {  	[sflag:s22] =	ssyncadd.s32 s3;
	_ =	sdelay $0x1  }
0xa1: {  	s23 =	simm.s32 $0x1B8B  }
0xa2: {  	_ =	swait.ge [sflag:s23], $0x1  }
0xa3: {  	[sflag:s23] =	ssyncset.done $0x0  }
0xa4: {  	s25 =	simm.s32 $0x1B8E;
	s24 =	sld [smem:$0x3FFE];
	[sflag:s23] =	ssyncadd.s32 $0xFFFFFFFF  }
0xa5: {  	s26 =	simm.s32 $execute0_lowered;
	[smem:$0x3FD2] =	sst s25  }
0xa6: {  	s4 =	sshll.u32 s26, $0x1;
	_ =	strace $0x80000046;
	[dreg:$0x1] =	wrdreg $0xFFFFFFFF  }
0xa7: {  	s28 =	simm.s32 $_size_execute0_lowered;
	s2 =	sadd.s32 s2, s4;
	[dreg:$0x0] =	wrdreg $0x0  }
0xa8: {  	s4 =	sshll.u32 s28, $0x1;
	[dreg:$0x2] =	wrdreg s2  }
0xa9: {  	[dreg:$0x3] =	wrdreg s4  }
0xaa: {  	[dreg:$0x4] =	wrdreg $0xC0  }
0xab: {  	_ =	task [dreg:s6], $0x5FFFF  }
0xac: {  	[dreg:$0x1] =	wrdreg $0xFFFFFFFF  }
0xad: {  	[dreg:$0x0] =	wrdreg $0x60  }
0xae: {  	[dreg:$0x2] =	wrdreg s24  }
0xaf: {  	[dreg:$0x3] =	wrdreg $0x9  }
0xb0: {  	_ =	task.clear_ibuf [dreg:s6], $0x4FFFF;
	_ =	strace $0x90000046  }
0xb1: {  	s29 =	simm.s32 $0x9;
	_ =	strace $0x80000048  }
0xb2: {  	_ =	swait.ge [sflag:s29], $0x1  }
0xb3: {  	[sflag:s29] =	ssyncadd.s32 $0xFFFFFFFF  }
0xb4: {  	_ =	strace $0x90000048  }
0xb5: {  	_ =	sfence  }
0xb6: {  	s30 =	sld [smem:$0x0];
	_ =	sdelay $0x2  }
0xb7: {  	s31 =	sshll.u32 s1, $0xD;
	s1 =	sshrl.u32 s1, $0x2  }
0xb8: {  	s3 =	sand.u32 $0x4000, s31;
	s1 =	sadd.s32 s1, s30  }
0xb9: {  	s0 =	sor.u32 s3, s0;
	s1 =	sshll.u32 s1, $0x11  }
0xba: {  	s0 =	sor.u32 s1, s0  }
0xbb: {  	s0 =	sadd.s32 $0x8F2B, s0  }
0xbc: {  	[sflag:s0] =	ssyncadd.remote.s32 $0x1  }
0xbd: {  	_ =	sfence.sel $0xFFFF  }
0xbe: {  	[dreg:$0x0] =	wrdreg $0xFFFFFFFF;
	(pc) =	sbr.abs _section_cstart, $3  }
0xbf: {  	[dreg:$0x1] =	wrdreg $0xFFFFFFFF  }
0xc0: {  	_ =	task.clear_ibuf [dreg:s6], $0x2FFFF;
	_ =	strace $0x9FFFFFFF  }
0xc1: {  	(tm) =	ssettm $0x7FFFFFFF  }
tec
execute0_lowered:
.L_overlay_start_1:
0x0: {  	(tag) =	ssettag $0x1  }
0x1: {  	s3 =	rddreg [dreg:$0x0]  }
0x2: {  	s0 =	rddreg [dreg:$0x1];
	s4 =	srdreg.scid  }
0x3: {  	s1 =	stileid.u32;
	s2 =	simm.s32 $0x0;
	s17 =	simm.s32 $0x6000  }
0x4: {  	s18 =	simm.s32 $0x8000;
	s19 =	simm.s32 $0xA000;
	s20 =	simm.s32 $0xC000  }
0x5: {  	s21 =	simm.s32 $0xE000;
	s22 =	simm.s32 $0x10000;
	s23 =	simm.s32 $0x9  }
0x6: {  	s24 =	simm.s32 $0x10800;
	s25 =	simm.s32 $0x10880;
	s26 =	simm.s32 $0x0  }
0x7: {  	s4 =	sand.u32 $0x1, s4;
	s5 =	sshll.u32 s1, $0x1;
	[smem:$0x7FF] =	sst s2  }
0x8: {  	s13 =	sadd.s32 $0x42800, s3;
	s12 =	sshll.u32 s1, $0x9;
	s8 =	sor.u32 s4, s5  }
0x9: {  	_ =	strace $0x80000047;
	s4 =	ssub.s32 $0x2, s4;
	s16 =	sand.u32 $0x1C00, s12  }
0xa: {  	s5 =	sshll.u32 s8, $0xD;
	s30 =	sshll.u32 s8, $0x8;
	s6 =	sshrl.u32 s4, $0x1  }
0xb: {  	s9 =	sshll.u32 s8, $0x7;
	s10 =	sadd.s32 s5, s3;
	s11 =	sadd.s32 s30, s3  }
0xc: {  	s14 =	ssub.s32 s4, s6;
	s15 =	sand.u32 $0x180, s9;
	s3 =	sadd.s32 $0x2800, s10  }
0xd: {  	s4 =	sadd.s32 $0x2C00, s10;
	s5 =	sadd.s32 $0x3000, s10;
	s6 =	sadd.s32 $0x3400, s10  }
0xe: {  	s7 =	sadd.s32 $0x3800, s10;
	s8 =	sadd.s32 $0x3C00, s10;
	s9 =	sadd.s32 $0x4000, s10  }
0xf: {  	s12 =	sor.u32 s15, s12;
	s10 =	sadd.s32 $0x4400, s10;
	s15 =	sor.u32 s16, s15  }
0x10: {  	v0 =	vlaneseq.u32;
	s11 =	sadd.s32 $0x800, s11;
	s14 =	smax.u32 s14, $0x1;
	s12 =	sshrl.u32 s12, $0x3  }
0x11: {  	v1 =	vand.u32 $0x7, v0;
	s16 =	simm.s32 $0x4000;
	s15 =	sshrl.u32 s15, $0x3;
	s31 =	sor.u32 $0x40, s12  }
0x12: {  	v2 =	vimm.f32 $1.000000000e+00;
	v3 =	vimm.f32 $0.0e+00;
	v1 =	vmul.u32 $0x80, v1;
	s12 =	sadd.s32 s13, s15;
	s15 =	simm.s32 $0x2000;
	s13 =	sadd.s32 s13, s31  }
.LBB2_1:
0x13: {  	[tilespmem:s2], [sflag:$0x1] =	stream.linear.gather [hbm4b:s3+s2], $0x2000, $0x38;
	[tilespmem:$0x10900] =	vst v63  }
0x14: {  	_ = 	snop  }
0x15: {  	[tilespmem:s15], [sflag:$0x2] =	stream.linear.gather [hbm4b:s4+s2], $0x2000, $0x38;
	[tilespmem:$0x10900] =	vst v63  }
0x16: {  	_ = 	snop  }
0x17: {  	[tilespmem:s16], [sflag:$0x3] =	stream.linear.gather [hbm4b:s5+s2], $0x2000, $0x38;
	[tilespmem:$0x10900] =	vst v63  }
0x18: {  	_ = 	snop  }
0x19: {  	[tilespmem:s17], [sflag:$0x4] =	stream.linear.gather [hbm4b:s6+s2], $0x2000, $0x38;
	[tilespmem:$0x10900] =	vst v63  }
0x1a: {  	_ = 	snop  }
0x1b: {  	[tilespmem:s18], [sflag:$0x5] =	stream.linear.gather [hbm4b:s7+s2], $0x2000, $0x38;
	[tilespmem:$0x10900] =	vst v63  }
0x1c: {  	_ = 	snop  }
0x1d: {  	[tilespmem:s19], [sflag:$0x6] =	stream.linear.gather [hbm4b:s8+s2], $0x2000, $0x38;
	[tilespmem:$0x10900] =	vst v63  }
0x1e: {  	_ = 	snop  }
0x1f: {  	[tilespmem:s20], [sflag:$0x7] =	stream.linear.gather [hbm4b:s9+s2], $0x2000, $0x38;
	[tilespmem:$0x10900] =	vst v63  }
0x20: {  	_ = 	snop  }
0x21: {  	[tilespmem:s21], [sflag:$0x8] =	stream.linear.gather [hbm4b:s10+s2], $0x2000, $0x38;
	[tilespmem:$0x10900] =	vst v63  }
0x22: {  	_ = 	snop  }
0x23: {  	[tilespmem:s22], [sflag:$0x9] =	stream.linear.gather [hbm4b:s11+s2], $0x800, $0x38;
	[tilespmem:$0x10900] =	vst v63  }
0x24: {  	_ =	swait.ge [sflag:s23], $0x800  }
0x25: {  	s28 =	simm.s32 $0x1;
	[sflag:s23] =	ssyncset.done $0x0  }
0x26: {  	s29 =	simm.s32 $0x10880;
	s30 =	simm.s32 $0x0;
	[sflag:s23] =	ssyncadd.s32 $0xFFFFF800  }
.LBB2_2:
0x27: {  	v4 =	vor.u32 s30, v0  }
0x28: {  	v14 =	vshll.u32 v4, $0x4;
	_ =	sdelay $0x1  }
0x29: {  	_ =	swait.ge [sflag:s28], $0x2000  }
0x2a: {  	[sflag:s28] =	ssyncset.done $0x0;
	v5 =	vor.u32 $0x1, v14  }
0x2b: {  	[sflag:s28] =	ssyncadd.s32 $0xFFFFE000  }
0x2c: {  	v8 =	vld.idx.msk [tilespmem:v14+s22+$0x0], $0xffff  }
0x2d: {  	v18 =	vor.u32 $0xB, v14  }
0x2e: {  	v4 =	vshll.u32 v4, $0x9  }
0x2f: {  	v4 =	vand.u32 $0xF000, v4;
	v7 =	vld.idx.msk [tilespmem:v5+s22+$0x0], $0xffff;
	v5 =	vor.u32 $0x2, v14  }
0x30: {  	v11 =	vor.u32 $0x3, v14;
	v56 =	vor.u32 $0x4, v14;
	v15 =	vor.u32 $0x5, v14  }
0x31: {  	v19 =	vor.u32 $0x6, v14;
	v21 =	vor.u32 $0x7, v14;
	v6 =	vshll.u32 v8, $0x3  }
0x32: {  	v57 =	vor.u32 $0x8, v14;
	v20 =	vor.u32 $0x9, v14;
	v18 =	vld.idx.msk [tilespmem:v18+s22+$0x0], $0xffff;
	v6 =	vand.u32 $0xFFFFFC00, v6  }
0x33: {  	v16 =	vor.u32 $0xA, v14;
	v9 =	vand.u32 $0x7F, v8;
	v10 =	vadd.s32 v4, v6  }
0x34: {  	vm0 =	veq.s32 v8, $0x0;
	v52 =	vshll.u32 v7, $0x3;
	v6 =	vld.idx.msk [tilespmem:v5+s22+$0x0], $0xffff;
	v5 =	vor.u32 v9, v10  }
0x35: {  	v53 =	vand.u32 $0x7F, v7;
	v9 =	vand.u32 $0xFFFFFC00, v52;
	v5 =	vor.u32 v1, v5  }
0x36: {  	v22 =	vsel vm0, $0x0, v2;
	vm14 =	vne.s32 v7, $0x0;
	v9 =	vadd.s32 v4, v9  }
0x37: {  	vm1 =	vne.s32 v7, v8;
	v29 =	vshll.u32 v18, $0x3;
	v9 =	vor.u32 v53, v9  }
0x38: {  	vm1 =	vmand vm14, vm1;
	v62 =	vsel vm14, $0x3F800000, v3;
	v9 =	vor.u32 v1, v9  }
0x39: {  	v29 =	vand.u32 $0xFFFFFC00, v29;
	v17 =	vsel vm1, $0x3F800000, v3;
	v54 =	vshll.u32 v6, $0x3  }
0x3a: {  	v29 =	vadd.s32 v4, v29;
	v61 =	vadd.f32 v17, v22;
	v12 =	vld.idx.msk [tilespmem:v5+s2+$0x0], $0xffff;
	v5 =	vand.u32 $0xFFFFFC00, v54  }
0x3b: {  	v53 =	vor.u32 $0xE, v14;
	v55 =	vand.u32 $0x7F, v6;
	v13 =	vadd.s32 v4, v5;
	v5 =	vld.idx.msk [tilespmem:v11+s22+$0x0], $0xffff  }
0x3c: {  	vm15 =	vne.s32 v6, $0x0;
	vm2 =	vne.s32 v6, v8;
	vm3 =	vne.s32 v6, v7  }
0x3d: {  	vm2 =	vmand vm2, vm3;
	v63 =	vsel vm15, $0x3F800000, v3;
	v10 =	vor.u32 v55, v13;
	v9 =	vld.idx.msk [tilespmem:v9+s2+$0x0], $0xffff  }
0x3e: {  	vm2 =	vmand vm15, vm2;
	v54 =	vor.u32 $0xF, v14;
	v10 =	vor.u32 v1, v10  }
0x3f: {  	v60 =	vsel vm2, $0x3F800000, v3;
	v13 =	vld.idx.msk [tilespmem:v57+s22+$0x0], $0xffff;
	v12 =	vmul.f32 v12, v22;
	v22 =	vadd.f32 v62, v22  }
0x40: {  	v58 =	vshll.u32 v5, $0x3;
	v24 =	vand.u32 $0x7F, v5;
	vm4 =	vne.s32 v5, v8  }
0x41: {  	vm5 =	vne.s32 v5, v7;
	vm6 =	vne.s32 v5, $0x0;
	vm7 =	vne.s32 v5, v6  }
0x42: {  	v12 =	vadd.f32 $0.0e+00, v12;
	v23 =	vmul.f32 v9, v17;
	v9 =	vand.u32 $0xFFFFFC00, v58  }
0x43: {  	v17 =	vor.u32 $0xC, v14;
	vm0 =	vmand vm4, vm5;
	v22 =	vadd.f32 v63, v22;
	v10 =	vld.idx.msk [tilespmem:v10+s2+$0x0], $0xffff  }
0x44: {  	v35 =	vsel vm6, $0x3F800000, v3;
	v55 =	vshll.u32 v13, $0x3;
	v25 =	vadd.s32 v4, v9;
	v9 =	vld.idx.msk [tilespmem:v56+s22+$0x0], $0xffff  }
0x45: {  	v57 =	vand.u32 $0x7F, v13;
	vm0 =	vmand vm7, vm0;
	v59 =	vor.u32 v24, v25  }
0x46: {  	v12 =	vadd.f32 v23, v12;
	v23 =	vadd.f32 v60, v61;
	vm0 =	vmand vm6, vm0  }
0x47: {  	v22 =	vadd.f32 v35, v22;
	v11 =	vor.u32 v1, v59;
	v27 =	vsel vm0, $0x3F800000, v3  }
0x48: {  	v39 =	vadd.f32 v27, v23;
	v26 =	vmul.f32 v10, v60;
	v10 =	vld.idx.msk [tilespmem:v15+s22+$0x0], $0xffff;
	v15 =	vor.u32 $0xD, v14  }
0x49: {  	v30 =	vshll.u32 v9, $0x3;
	v31 =	vand.u32 $0x7F, v9;
	vm8 =	vne.s32 v9, v8  }
0x4a: {  	vm9 =	vne.s32 v9, v7;
	vm10 =	vne.s32 v9, v6;
	vm11 =	vne.s32 v9, $0x0  }
0x4b: {  	vm12 =	vne.s32 v9, v5;
	v25 =	vand.u32 $0xFFFFFC00, v30;
	vm0 =	vmand vm8, vm9  }
0x4c: {  	v44 =	vsel vm11, $0x3F800000, v3;
	v25 =	vadd.s32 v4, v25;
	vm0 =	vmand vm10, vm0  }
0x4d: {  	v14 =	vld.idx.msk [tilespmem:v20+s22+$0x0], $0xffff;
	v12 =	vadd.f32 v26, v12;
	v25 =	vor.u32 v31, v25;
	vm0 =	vmand vm12, vm0  }
0x4e: {  	v16 =	vld.idx.msk [tilespmem:v16+s22+$0x0], $0xffff;
	v22 =	vadd.f32 v44, v22;
	v25 =	vor.u32 v1, v25;
	vm0 =	vmand vm11, vm0  }
0x4f: {  	v11 =	vld.idx.msk [tilespmem:v11+s2+$0x0], $0xffff;
	v32 =	vshll.u32 v10, $0x3;
	v28 =	vand.u32 $0x7F, v10;
	vm13 =	vne.s32 v10, v8  }
0x50: {  	vm4 =	vne.s32 v10, v7;
	vm15 =	vne.s32 v10, v6;
	vm6 =	vne.s32 v10, v5  }
0x51: {  	v38 =	vsel vm0, $0x3F800000, v3;
	vm7 =	vne.s32 v10, v9;
	vm0 =	vne.s32 v10, $0x0  }
0x52: {  	v58 =	vshll.u32 v14, $0x3;
	v59 =	vand.u32 $0x7F, v14;
	v26 =	vand.u32 $0xFFFFFC00, v32  }
0x53: {  	vm14 =	vmand vm13, vm4;
	v50 =	vsel vm0, $0x3F800000, v3;
	v32 =	vand.u32 $0x7F, v16  }
0x54: {  	v26 =	vadd.s32 v4, v26;
	v11 =	vmul.f32 v11, v27;
	vm1 =	vmand vm15, vm14  }
0x55: {  	vm4 =	vne.s32 v16, v13;
	v33 =	vor.u32 v28, v26;
	vm1 =	vmand vm6, vm1;
	v36 =	vld.idx.msk [tilespmem:v25+s2+$0x0], $0xffff  }
0x56: {  	vm6 =	vne.s32 v13, v8;
	v26 =	vand.u32 $0xFFFFFC00, v58;
	v34 =	vadd.f32 v11, v12;
	v11 =	vld.idx.msk [tilespmem:v19+s22+$0x0], $0xffff  }
0x57: {  	v24 =	vor.u32 v1, v33;
	vm1 =	vmand vm7, vm1;
	v12 =	vld.idx.msk [tilespmem:v21+s22+$0x0], $0xffff;
	v21 =	vadd.f32 v38, v39  }
0x58: {  	vm7 =	vne.s32 v13, v7;
	v26 =	vadd.s32 v4, v26;
	v33 =	vshll.u32 v16, $0x3  }
0x59: {  	vm1 =	vmand vm0, vm1;
	vm0 =	vmand vm6, vm7;
	v26 =	vor.u32 v59, v26  }
0x5a: {  	vm6 =	vne.s32 v14, $0x0;
	v27 =	vand.u32 $0xFFFFFC00, v33;
	v41 =	vsel vm1, $0x3F800000, v3  }
0x5b: {  	v26 =	vor.u32 v1, v26;
	v31 =	vsel vm6, $0x3F800000, v3;
	v27 =	vadd.s32 v4, v27  }
0x5c: {  	v21 =	vadd.f32 v41, v21;
	v25 =	vmul.f32 v36, v38;
	v42 =	vshll.u32 v11, $0x3  }
0x5d: {  	v45 =	vand.u32 $0x7F, v11;
	vm8 =	vne.s32 v11, v8;
	vm9 =	vne.s32 v11, v7  }
0x5e: {  	v47 =	vshll.u32 v12, $0x3;
	vm10 =	vne.s32 v11, v6;
	v48 =	vand.u32 $0x7F, v12  }
0x5f: {  	vm11 =	vne.s32 v11, v5;
	vm12 =	vne.s32 v11, v9;
	vm13 =	vne.s32 v12, v8  }
0x60: {  	vm14 =	vne.s32 v12, v7;
	vm15 =	vne.s32 v11, v10;
	v36 =	vand.u32 $0x7F, v18  }
0x61: {  	v17 =	vld.idx.msk [tilespmem:v17+s22+$0x0], $0xffff;
	v43 =	vand.u32 $0xFFFFFC00, v42;
	vm1 =	vmand vm8, vm9;
	vm2 =	vmand vm13, vm14  }
0x62: {  	vm8 =	vne.s32 v12, v6;
	vm9 =	vne.s32 v12, v5;
	vm14 =	vne.s32 v12, v11  }
0x63: {  	v37 =	vld.idx.msk [tilespmem:v24+s2+$0x0], $0xffff;
	v28 =	vor.u32 v36, v29;
	v40 =	vadd.f32 v25, v34;
	v24 =	vadd.s32 v4, v43  }
0x64: {  	v15 =	vld.idx.msk [tilespmem:v15+s22+$0x0], $0xffff;
	vm1 =	vmand vm10, vm1;
	vm2 =	vmand vm8, vm2;
	vm10 =	vne.s32 v11, $0x0  }
0x65: {  	v25 =	vadd.f32 v50, v22;
	vm8 =	vne.s32 v13, v6;
	v28 =	vor.u32 v1, v28  }
0x66: {  	v43 =	vshll.u32 v17, $0x3;
	v46 =	vor.u32 v45, v24;
	v24 =	vand.u32 $0xFFFFFC00, v47  }
0x67: {  	vm1 =	vmand vm11, vm1;
	vm2 =	vmand vm9, vm2;
	vm11 =	vne.s32 v12, v9  }
0x68: {  	v52 =	vsel vm10, $0x3F800000, v3;
	vm9 =	vne.s32 v13, v5;
	v45 =	vand.u32 $0xFFFFFC00, v43  }
0x69: {  	v47 =	vshll.u32 v15, $0x3;
	v23 =	vor.u32 v1, v46;
	v24 =	vadd.s32 v4, v24  }
0x6a: {  	vm1 =	vmand vm12, vm1;
	vm2 =	vmand vm11, vm2;
	vm12 =	vne.s32 v12, v10  }
0x6b: {  	v25 =	vadd.f32 v52, v25;
	vm11 =	vne.s32 v13, v10;
	v46 =	vand.u32 $0x7F, v17  }
0x6c: {  	v22 =	vld.idx.msk [tilespmem:v53+s22+$0x0], $0xffff;
	v19 =	vmul.f32 v37, v41;
	v24 =	vor.u32 v48, v24;
	vm1 =	vmand vm15, vm1  }
0x6d: {  	vm13 =	vmand vm12, vm2;
	vm15 =	vne.s32 v12, $0x0;
	vm12 =	vne.s32 v13, v11  }
0x6e: {  	v48 =	vand.u32 $0xFFFFFC00, v47;
	v24 =	vor.u32 v1, v24;
	vm1 =	vmand vm10, vm1  }
0x6f: {  	v56 =	vsel vm15, $0x3F800000, v3;
	vm10 =	vne.s32 v13, v9;
	v19 =	vadd.f32 v19, v40  }
0x70: {  	v49 =	vsel vm1, $0x3F800000, v3;
	vm1 =	vmand vm14, vm13;
	vm13 =	vne.s32 v14, v8  }
0x71: {  	vm14 =	vne.s32 v14, v7;
	v25 =	vadd.f32 v56, v25;
	v50 =	vshll.u32 v22, $0x3  }
0x72: {  	v53 =	vand.u32 $0x7F, v22;
	vm5 =	vmand vm15, vm1;
	v21 =	vadd.f32 v49, v21  }
0x73: {  	vm1 =	vmand vm8, vm0;
	vm0 =	vne.s32 v13, $0x0;
	vm2 =	vmand vm13, vm14  }
0x74: {  	vm15 =	vne.s32 v14, v6;
	vm8 =	vne.s32 v13, v12;
	vm13 =	vne.s32 v14, v11  }
0x75: {  	vm14 =	vne.s32 v14, v12;
	v51 =	vsel vm5, $0x3F800000, v3;
	vm1 =	vmand vm9, vm1  }
0x76: {  	vm2 =	vmand vm15, vm2;
	vm9 =	vne.s32 v14, v5;
	vm15 =	vne.s32 v14, v13  }
0x77: {  	v23 =	vld.idx.msk [tilespmem:v23+s2+$0x0], $0xffff;
	v62 =	vsel vm0, $0x3F800000, v3;
	vm5 =	vne.s32 v16, v14;
	v21 =	vadd.f32 v51, v21  }
0x78: {  	vm1 =	vmand vm10, vm1;
	vm2 =	vmand vm9, vm2;
	vm10 =	vne.s32 v14, v9  }
0x79: {  	vm9 =	vne.s32 v16, v7;
	vm1 =	vmand vm11, vm1;
	vm2 =	vmand vm10, vm2  }
0x7a: {  	vm11 =	vne.s32 v14, v10;
	vm10 =	vne.s32 v16, v6;
	vm1 =	vmand vm12, vm1  }
0x7b: {  	v24 =	vld.idx.msk [tilespmem:v24+s2+$0x0], $0xffff;
	vm12 =	vmand vm11, vm2;
	vm11 =	vne.s32 v16, v5;
	vm1 =	vmand vm8, vm1  }
0x7c: {  	vm8 =	vne.s32 v16, v8;
	v23 =	vmul.f32 v23, v49;
	vm1 =	vmand vm0, vm1  }
0x7d: {  	vm0 =	vmand vm8, vm9;
	vm8 =	vne.s32 v18, v7;
	vm9 =	vne.s32 v18, v6  }
0x7e: {  	v49 =	vand.u32 $0x7F, v15;
	v60 =	vsel vm1, $0x3F800000, v3;
	vm1 =	vmand vm13, vm12  }
0x7f: {  	vm0 =	vmand vm10, vm0;
	vm12 =	vne.s32 v16, v9;
	vm13 =	vne.s32 v16, v10  }
0x80: {  	vm10 =	vne.s32 v18, v5;
	v23 =	vadd.f32 v23, v19;
	v24 =	vmul.f32 v24, v51  }
0x81: {  	vm1 =	vmand vm14, vm1;
	v61 =	vadd.f32 v60, v21;
	vm0 =	vmand vm11, vm0  }
0x82: {  	vm14 =	vne.s32 v16, v11;
	vm11 =	vne.s32 v18, v9;
	v21 =	vadd.s32 v4, v45  }
0x83: {  	v51 =	vand.u32 $0xFFFFFC00, v50;
	vm1 =	vmand vm15, vm1;
	vm0 =	vmand vm12, vm0  }
0x84: {  	vm15 =	vne.s32 v16, v12;
	vm12 =	vne.s32 v18, v10;
	v21 =	vor.u32 v46, v21  }
0x85: {  	v26 =	vld.idx.msk [tilespmem:v26+s2+$0x0], $0xffff;
	v23 =	vadd.f32 v24, v23;
	v24 =	vand.u32 $0xFFFFFC00, v55;
	vm7 =	vmand vm6, vm1  }
0x86: {  	vm0 =	vmand vm13, vm0;
	vm6 =	vne.s32 v16, $0x0;
	vm13 =	vne.s32 v18, v11  }
0x87: {  	v19 =	vld.idx.msk [tilespmem:v54+s22+$0x0], $0xffff;
	v21 =	vor.u32 v1, v21;
	v24 =	vadd.s32 v4, v24;
	v63 =	vsel vm7, $0x3F800000, v3  }
0x88: {  	vm0 =	vmand vm14, vm0;
	vm7 =	vne.s32 v18, v8;
	v35 =	vsel vm6, $0x3F800000, v3  }
0x89: {  	vm14 =	vne.s32 v18, v12;
	v24 =	vor.u32 v57, v24;
	vm0 =	vmand vm15, vm0  }
0x8a: {  	v26 =	vmul.f32 v26, v63;
	vm15 =	vne.s32 v18, v13;
	vm0 =	vmand vm4, vm0  }
0x8b: {  	v20 =	vadd.f32 v63, v61;
	v24 =	vor.u32 v1, v24;
	vm0 =	vmand vm5, vm0  }
0x8c: {  	v52 =	vshll.u32 v19, $0x3;
	v54 =	vand.u32 $0x7F, v19;
	vm0 =	vmand vm6, vm0  }
0x8d: {  	vm5 =	vne.s32 v22, v15;
	vm6 =	vne.s32 v19, v11;
	v34 =	vsel vm0, $0x3F800000, v3  }
0x8e: {  	vm0 =	vmand vm7, vm8;
	vm8 =	vne.s32 v17, v8;
	vm7 =	vne.s32 v15, v6  }
0x8f: {  	vm0 =	vmand vm9, vm0;
	vm9 =	vne.s32 v17, v7;
	v20 =	vadd.f32 v34, v20  }
0x90: {  	vm0 =	vmand vm10, vm0;
	vm10 =	vmand vm8, vm9;
	vm8 =	vne.s32 v17, v10  }
0x91: {  	v24 =	vld.idx.msk [tilespmem:v24+s2+$0x0], $0xffff;
	vm9 =	vne.s32 v17, v11;
	vm0 =	vmand vm11, vm0;
	vm11 =	vne.s32 v17, v6  }
0x92: {  	vm0 =	vmand vm12, vm0;
	vm12 =	vne.s32 v18, v14;
	vm2 =	vmand vm11, vm10  }
0x93: {  	vm10 =	vne.s32 v17, v12;
	vm1 =	vmand vm13, vm0;
	vm13 =	vne.s32 v17, v5  }
0x94: {  	vm0 =	vne.s32 v18, $0x0;
	vm1 =	vmand vm14, vm1;
	vm2 =	vmand vm13, vm2  }
0x95: {  	vm14 =	vne.s32 v17, v9;
	vm13 =	vne.s32 v15, v8;
	v30 =	vsel vm0, $0x3F800000, v3  }
0x96: {  	v24 =	vmul.f32 v24, v60;
	vm1 =	vmand vm15, vm1;
	vm15 =	vne.s32 v18, v16  }
0x97: {  	vm2 =	vmand vm14, vm2;
	vm14 =	vne.s32 v15, v7;
	vm1 =	vmand vm12, vm1  }
0x98: {  	vm2 =	vmand vm8, vm2;
	vm12 =	vne.s32 v17, v13;
	vm8 =	vne.s32 v15, v5  }
0x99: {  	v23 =	vadd.f32 v24, v23;
	v24 =	vadd.f32 v62, v25;
	vm1 =	vmand vm15, vm1  }
0x9a: {  	vm2 =	vmand vm9, vm2;
	vm15 =	vne.s32 v17, v14;
	vm9 =	vne.s32 v17, v16  }
0x9b: {  	vm1 =	vmand vm0, vm1;
	vm11 =	vmand vm10, vm2;
	vm2 =	vmand vm13, vm14  }
0x9c: {  	v28 =	vld.idx.msk [tilespmem:v28+s2+$0x0], $0xffff;
	vm10 =	vne.s32 v15, v9;
	vm13 =	vne.s32 v15, v11;
	v23 =	vadd.f32 v26, v23  }
0x9d: {  	v26 =	vor.u32 v32, v27;
	v25 =	vadd.f32 v31, v24;
	v37 =	vsel vm1, $0x3F800000, v3  }
0x9e: {  	vm1 =	vmand vm12, vm11;
	vm2 =	vmand vm7, vm2;
	vm11 =	vne.s32 v15, v10  }
0x9f: {  	vm12 =	vne.s32 v17, v18;
	v24 =	vadd.s32 v4, v48;
	vm7 =	vne.s32 v19, v12  }
0xa0: {  	v26 =	vor.u32 v1, v26;
	vm1 =	vmand vm15, vm1;
	vm2 =	vmand vm8, vm2  }
0xa1: {  	vm15 =	vne.s32 v15, v12;
	vm8 =	vne.s32 v22, v8;
	v42 =	vmul.f32 v28, v37  }
0xa2: {  	v20 =	vadd.f32 v37, v20;
	v24 =	vor.u32 v49, v24;
	vm1 =	vmand vm9, vm1  }
0xa3: {  	vm2 =	vmand vm10, vm2;
	vm9 =	vne.s32 v22, v7;
	v40 =	vadd.f32 v35, v25  }
0xa4: {  	v25 =	vand.u32 $0xFFFFFC00, v52;
	v24 =	vor.u32 v1, v24;
	vm2 =	vmand vm11, vm2  }
0xa5: {  	vm0 =	vmand vm12, vm1;
	vm10 =	vmand vm8, vm9;
	vm11 =	vne.s32 v22, v6  }
0xa6: {  	vm12 =	vne.s32 v15, v13;
	vm8 =	vne.s32 v22, v10;
	vm9 =	vne.s32 v22, v11  }
0xa7: {  	vm14 =	vmand vm13, vm2;
	vm2 =	vmand vm11, vm10;
	vm13 =	vne.s32 v22, v5  }
0xa8: {  	vm10 =	vne.s32 v15, v16;
	vm11 =	vne.s32 v22, v12;
	v44 =	vadd.f32 v30, v40  }
0xa9: {  	vm1 =	vmand vm15, vm14;
	vm2 =	vmand vm13, vm2;
	vm14 =	vne.s32 v22, v9  }
0xaa: {  	vm15 =	vne.s32 v15, v14;
	vm13 =	vne.s32 v15, v18;
	vm1 =	vmand vm12, vm1  }
0xab: {  	vm2 =	vmand vm14, vm2;
	vm12 =	vne.s32 v22, v13;
	vm14 =	vne.s32 v22, v14  }
0xac: {  	v26 =	vld.idx.msk [tilespmem:v26+s2+$0x0], $0xffff;
	vm1 =	vmand vm15, vm1;
	vm2 =	vmand vm8, vm2;
	vm15 =	vne.s32 v22, v16  }
0xad: {  	vm8 =	vne.s32 v15, v17;
	vm2 =	vmand vm9, vm2;
	vm1 =	vmand vm10, vm1  }
0xae: {  	vm9 =	vne.s32 v22, v18;
	vm2 =	vmand vm11, vm2;
	vm1 =	vmand vm13, vm1  }
0xaf: {  	vm11 =	vne.s32 v22, v17;
	vm2 =	vmand vm12, vm2;
	vm12 =	vne.s32 v17, $0x0  }
0xb0: {  	vm4 =	vmand vm8, vm1;
	vm2 =	vmand vm14, vm2;
	vm13 =	vmand vm12, vm0  }
0xb1: {  	v31 =	vsel vm12, $0x3F800000, v3;
	v39 =	vmul.f32 v26, v34;
	vm12 =	vne.s32 v19, v6  }
0xb2: {  	vm2 =	vmand vm15, vm2;
	vm15 =	vne.s32 v15, $0x0;
	v55 =	vsel vm13, $0x3F800000, v3  }
0xb3: {  	vm13 =	vne.s32 v19, v5;
	vm10 =	vmand vm9, vm2;
	vm8 =	vmand vm15, vm4  }
0xb4: {  	vm9 =	vne.s32 v19, v8;
	v38 =	vsel vm15, $0x3F800000, v3;
	v8 =	vadd.s32 v4, v51  }
0xb5: {  	v4 =	vadd.s32 v4, v25;
	vm15 =	vne.s32 v19, v10;
	v59 =	vadd.f32 v55, v20  }
0xb6: {  	vm2 =	vmand vm11, vm10;
	vm10 =	vne.s32 v19, v7;
	vm11 =	vne.s32 v22, $0x0  }
0xb7: {  	v7 =	vadd.f32 v39, v23;
	v8 =	vor.u32 v53, v8;
	v4 =	vor.u32 v54, v4  }
0xb8: {  	v56 =	vsel vm8, $0x3F800000, v3;
	vm8 =	vne.s32 v19, v13;
	vm14 =	vmand vm5, vm2  }
0xb9: {  	vm3 =	vmand vm9, vm10;
	v6 =	vadd.f32 v42, v7;
	v7 =	vadd.f32 v31, v44  }
0xba: {  	v8 =	vor.u32 v1, v8;
	vm0 =	vmand vm11, vm14;
	vm3 =	vmand vm12, vm3  }
0xbb: {  	v58 =	vld.idx.msk [tilespmem:v24+s2+$0x0], $0xffff;
	vm14 =	vne.s32 v19, v9;
	vm1 =	vmand vm13, vm3;
	v7 =	vadd.f32 v38, v7  }
0xbc: {  	v5 =	vld.idx.msk [tilespmem:v21+s2+$0x0], $0xffff;
	v41 =	vsel vm11, $0x3F800000, v3;
	v4 =	vor.u32 v1, v4;
	vm2 =	vmand vm14, vm1  }
0xbd: {  	vm1 =	vne.s32 v19, $0x0;
	vm2 =	vmand vm15, vm2;
	v7 =	vadd.f32 v41, v7  }
0xbe: {  	vm9 =	vne.s32 v19, v14;
	v57 =	vsel vm1, $0x3F800000, v3;
	vm2 =	vmand vm6, vm2  }
0xbf: {  	vm10 =	vne.s32 v19, v16;
	vm2 =	vmand vm7, vm2;
	v7 =	vadd.f32 v57, v7  }
0xc0: {  	v60 =	vmul.f32 v58, v56;
	vm11 =	vne.s32 v19, v18;
	v8 =	vld.idx.msk [tilespmem:v8+s2+$0x0], $0xffff;
	vm2 =	vmand vm8, vm2  }
0xc1: {  	v5 =	vmul.f32 v5, v55;
	vm2 =	vmand vm9, vm2;
	v7 =	vmax.f32 v7, $1.000000000e+00  }
0xc2: {  	vm12 =	vne.s32 v19, v17;
	vm2 =	vmand vm10, vm2;
	(erf) = vrcp.f32 v7  }
0xc3: {  	vm13 =	vne.s32 v19, v15;
	v5 =	vadd.f32 v5, v6;
	vm2 =	vmand vm11, vm2  }
0xc4: {  	v61 =	vsel vm0, $0x3F800000, v3;
	vm14 =	vne.s32 v19, v22;
	v4 =	vld.idx.msk [tilespmem:v4+s2+$0x0], $0xffff;
	vm2 =	vmand vm12, vm2  }
0xc5: {  	v5 =	vadd.f32 v60, v5;
	v62 =	vmul.f32 v8, v61;
	vm2 =	vmand vm13, vm2  }
0xc6: {  	v6 =	vadd.f32 v56, v59;
	vm15 =	vmand vm14, vm2  }
0xc7: {  	v5 =	vadd.f32 v62, v5;
	vm0 =	vmand vm1, vm15  }
0xc8: {  	v6 =	vadd.f32 v61, v6;
	v63 =	vsel vm0, $0x3F800000, v3  }
0xc9: {  	v4 =	vmul.f32 v63, v4  }
0xca: {  	p0 =	sne.s32 s30, $0x70;
	v6 =	vadd.f32 v63, v6  }
.Ltmp0:
0xcb: {  	v4 =	vadd.f32 v4, v5;
	v5 =	vpop (erf);
	(pc) =	sbr.rel @p0 .LBB2_2-.Ltmp0, $4  }
0xcc: {  	v6 =	vmul.f32 v6, v5  }
0xcd: {  	v4 =	vmul.f32 v4, v5  }
0xce: {  	[tilespmem:s29+$0xFFFFFF80] =	vst v6  }
0xcf: {  	s30 =	sadd.s32 $0x10, s30;
	s28 =	sadd.s32 $0x1, s28;
	[tilespmem:s29+$0x0] =	vst v4;
	s29 =	sadd.s32 $0x10, s29  }
0xd0: {  	[hbm4b:s12+s2] =	stream.linear.scatter [tilespmem:s24], [sflag:$0x9], $0x80, $0x38;
	[tilespmem:$0x10900] =	vst v63  }
0xd1: {  	s26 =	sadd.s32 $0x1, s26;
	_ =	swait.ge [sflag:s23], $0x80  }
0xd2: {  	p0 =	sne.s32 s26, s14;
	[sflag:s23] =	ssyncset.done $0x0  }
.Ltmp1:
0xd3: {  	[sflag:s23] =	ssyncadd.s32 $0xFFFFFF80;
	(pc) =	sbr.rel @p0 .LBB2_1-.Ltmp1, $4  }
0xd4: {  	[hbm4b:s13+s2] =	stream.linear.scatter [tilespmem:s25], [sflag:$0x9], $0x80, $0x38;
	[tilespmem:$0x10900] =	vst v63  }
0xd5: {  	_ =	swait.ge [sflag:s23], $0x80  }
0xd6: {  	[sflag:s23] =	ssyncset.done $0x0  }
0xd7: {  	[sflag:s23] =	ssyncadd.s32 $0xFFFFFF80  }
0xd8: {  	_ =	sfence.sel $0x180000  }
0xd9: {  	[bflag:$0x0] =	sbarrier.arrive $0xFFFF  }
0xda: {  	p0 =	sne.s32 s1, $0x0;
	_ =	strace $0x90000047  }
0xdb: {  	s0 =	sadd.s32 @!p0 $0x100000, s0;
	[bflag:$0x2] =	sbarrier.arrive $0xFFFF  }
0xdc: {  	[sflag:s0] =	ssyncadd.tile.s32 @!p0 $0x1;
	_ =	shalt  }
.Lfunc_end2:
_tile_overlayer_lowered:
.L_overlay_start_2:
0xdd: {  	(tag) =	ssettag $0x2  }
0xde: {  	s0 =	rddreg [dreg:$0x0];
	s2 =	stileid.u32  }
0xdf: {  	s1 =	rddreg [dreg:$0x1];
	p0 =	sne.s32 s2, $0x0  }
0xe0: {  	s3 =	rddreg [dreg:$0x2];
	[bflag:$0x3] =	sbarrier.arrive $0xFFFF;
	s2 =	simm.s32 @!p0 $0x1C09  }
0xe1: {  	[timem:s3], [sflag:s2] =	dma.local @!p0 [hbm:s0], s1  }
0xe2: {  	s0 =	simm.s32 @!p0 $0x9  }
0xe3: {  	_ =	swait.ge @!p0 [sflag:s0], s1  }
0xe4: {  	s1 =	ssub.s32 @!p0 $0x0, s1;
	[sflag:s0] =	ssyncset.done @!p0 $0x0  }
0xe5: {  	[sflag:s0] =	ssyncadd.s32 @!p0 s1  }
0xe6: {  	[bflag:$0x3] =	sbarrier.arrive $0xFFFF  }
0xe7: {  	_ =	shalt  }

</sc_bundles>
